<compile_context>
chip_gen: v7x
topology: tpu7x:2x2x1
jax: 0.10.2.dev20260603
libtpu: 0.0.44.dev20260713+nightly
codegen_flags: <defaults>
</compile_context>

<pallas_src>
import functools

import jax
import jax.numpy as jnp
from jax import lax
from jax.experimental import pallas as pl
from jax.experimental.pallas import tpu as pltpu
from jax.experimental.pallas import tpu_sc as plsc

N = 8192
L = 64
P = L * L
CB = 256
NCOPY = N // CB
S = 8

_INFO = plsc.get_sparse_core_info()
_NC, _NS = _INFO.num_cores, _INFO.num_subcores
NW = _NC * _NS
ROWS_PER_W = N // NW
NVEC = ROWS_PER_W // 16


def _fill_body(out_ref, tbuf, sems):
    flat = lax.broadcasted_iota(jnp.int32, (CB, P), 1)
    tbuf[...] = jnp.where(flat == 0, jnp.float32(1.0), jnp.float32(0.0))
    copies = [
        pltpu.make_async_copy(
            tbuf, out_ref.at[pl.ds(i * CB, CB), :], sems.at[i % S])
        for i in range(NCOPY)
    ]
    for i in range(S):
        copies[i].start()
    for i in range(NCOPY - S):
        copies[i].wait()
        copies[i + S].start()
    for i in range(NCOPY - S, NCOPY):
        copies[i].wait()


_tc_fill = pl.pallas_call(
    _fill_body,
    grid=(1,),
    in_specs=[],
    out_specs=pl.BlockSpec(memory_space=pl.ANY),
    out_shape=jax.ShapeDtypeStruct((N, P), jnp.float32),
    scratch_shapes=[
        pltpu.VMEM((CB, P), jnp.float32),
        pltpu.SemaphoreType.DMA((S,)),
    ],
)


@functools.partial(
    pl.kernel,
    mesh=plsc.VectorSubcoreMesh(core_axis_name="c", subcore_axis_name="s"),
    out_type=(),
    scratch_types=[
        pltpu.VMEM((ROWS_PER_W,), jnp.int32),
        pltpu.VMEM((ROWS_PER_W,), jnp.int32),
        pltpu.VMEM((2, 128), jnp.int32),
        pltpu.VMEM((2, 128), jnp.float32),
    ],
)
def _sc_poke(out_hbm, y_hbm, x_hbm, y_v, x_v, idx_v, val_v):
    base_row = (lax.axis_index("s") * _NC + lax.axis_index("c")) * ROWS_PER_W
    pltpu.sync_copy(y_hbm.at[pl.ds(base_row, ROWS_PER_W)], y_v)
    pltpu.sync_copy(x_hbm.at[pl.ds(base_row, ROWS_PER_W)], x_v)

    iota16 = lax.iota(jnp.int32, 16)
    neg1 = jnp.full((16,), -1.0, jnp.float32)
    for cc in range(NVEC):
        yv = y_v[pl.ds(cc * 16, 16)]
        xv = x_v[pl.ds(cc * 16, 16)]
        sep_idx = (base_row + cc * 16 + iota16) * P + yv * L + xv
        j, k = divmod(cc, 8)
        idx_v[j, pl.ds(k * 16, 16)] = sep_idx
        val_v[j, pl.ds(k * 16, 16)] = neg1
    for j in range(2):
        pltpu.sync_copy(val_v.at[j], out_hbm.at[idx_v.at[j]])


def kernel(lats, x_seps, y_seps):
    y = y_seps.astype(jnp.int32)
    x = x_seps.astype(jnp.int32)
    filled = _tc_fill().reshape(N * P)
    ref = jax.new_ref(filled)
    _sc_poke(ref, y, x)
    return ref[...].reshape(N, 1, L, L)

# --- scband reference (transcript-rebuilt; emitter-appended) ---
"""Pipeline reference for scband-corr2-pt-conv-8134668058700 (READ-ONLY COPY).

The authoritative reference and input builder live on the scoring server;
editing this copy changes nothing except your own understanding.
"""

import jax, jax.numpy as jnp
import numpy as np

N = 8192
L = 64

def setup_inputs(seed: int = 0) -> dict:
    key = jax.random.key(seed)
    k1, k2, k3 = jax.random.split(key, 3)
    lats = jax.random.normal(k1, (N, L, L), dtype=jnp.float32)
    x_seps = jax.random.randint(k2, (N,), 0, L, dtype=jnp.int64)
    y_seps = jax.random.randint(k3, (N,), 0, L, dtype=jnp.int64)
    return {"lats": lats, "x_seps": x_seps, "y_seps": y_seps}

def reference(lats, x_seps, y_seps):
    # Faithful translation of Corr2PtConv.get_masks: allocate a zero mask per
    # configuration, scatter-write +1 at the origin (0,0) and -1 at the
    # per-config separation (y_sep, x_sep). Channel dim of size 1 inserted.
    n = lats.shape[0]
    order = jnp.arange(0, n)
    masks = jnp.zeros(lats.shape, dtype=lats.dtype)[:, None, :, :]
    masks = masks.at[order, 0, 0, 0].set(1.0)
    masks = masks.at[order, 0, y_seps.astype(jnp.int32), x_seps.astype(jnp.int32)].set(-1.0)
    return masks

if __name__ == "__main__":
    import jax
    _d = setup_inputs()
    print(jax.jit(kernel)(*tuple(_d.values())))

</pallas_src>

<mosaic_0001>
#map = affine_map<(d0, d1) -> (0)>
module attributes {stable_mosaic.version = 14 : i64} {
  func.func @new_body(%arg0: i32, %arg1: i32, %arg2: memref<33554432xf32, #tpu.memory_space<hbm>>, %arg3: memref<8192xi32, #tpu.memory_space<hbm>>, %arg4: memref<8192xi32, #tpu.memory_space<hbm>>, %arg5: memref<33554432xf32, #tpu.memory_space<hbm>>, %arg6: memref<256xi32, #tpu.memory_space<vmem>>, %arg7: memref<256xi32, #tpu.memory_space<vmem>>, %arg8: memref<2x128xi32, #tpu.memory_space<vmem>>, %arg9: memref<2x128xf32, #tpu.memory_space<vmem>>) attributes {dimension_semantics = [#tpu.dimension_semantics<core_parallel>, #tpu.dimension_semantics<subcore_parallel>], iteration_bounds = array<i64: 2, 16>, scalar_prefetch = 0 : i64, scratch_operands = 4 : i64, tpu.core_type = #tpu.core_type<sc_vector_subcore>, window_params = [{transform_indices = #map}, {transform_indices = #map}, {transform_indices = #map}, {transform_indices = #map}]} {
    %mul3A = arith.constant 2 : i32
    %mul3A_0 = arith.muli %arg1, %mul3A : i32
    %add3A = arith.addi %mul3A_0, %arg0 : i32
    %mul3A_1 = arith.constant 256 : i32
    %mul3A_2 = arith.muli %add3A, %mul3A_1 : i32
    "tpu.region"() ({
      %run_scoped3A_485 = tpu.sem_alloc : memref<!tpu.dma_semaphore, #tpu.memory_space<semaphore_mem>>
      %dma_start3A = tpu.memref_slice %arg3[%mul3A_2] : memref<8192xi32, #tpu.memory_space<hbm>> -> memref<256xi32, #tpu.memory_space<hbm>>
      %dma_start3A_486 = tpu.memref_slice %arg3[%mul3A_2] : memref<8192xi32, #tpu.memory_space<hbm>> -> memref<256xi32, #tpu.memory_space<hbm>>
      tpu.enqueue_dma source(%dma_start3A_486 : memref<256xi32, #tpu.memory_space<hbm>>) target(%arg6 : memref<256xi32, #tpu.memory_space<vmem>>) target_semaphore(%run_scoped3A_485 : memref<!tpu.dma_semaphore, #tpu.memory_space<semaphore_mem>>)
      %dma_wait3A = tpu.memref_slice %arg3[%mul3A_2] : memref<8192xi32, #tpu.memory_space<hbm>> -> memref<256xi32, #tpu.memory_space<hbm>>
      %dma_wait3A_487 = tpu.memref_slice %arg3[%mul3A_2] : memref<8192xi32, #tpu.memory_space<hbm>> -> memref<256xi32, #tpu.memory_space<hbm>>
      tpu.wait_dma2 semaphore(%run_scoped3A_485 : memref<!tpu.dma_semaphore, #tpu.memory_space<semaphore_mem>>) src(%dma_wait3A_487 : memref<256xi32, #tpu.memory_space<hbm>>) dst(%arg6 : memref<256xi32, #tpu.memory_space<vmem>>)
      tpu.yield
    }) : () -> ()
    "tpu.region"() ({
      %run_scoped3A_485 = tpu.sem_alloc : memref<!tpu.dma_semaphore, #tpu.memory_space<semaphore_mem>>
      %dma_start3A = tpu.memref_slice %arg4[%mul3A_2] : memref<8192xi32, #tpu.memory_space<hbm>> -> memref<256xi32, #tpu.memory_space<hbm>>
      %dma_start3A_486 = tpu.memref_slice %arg4[%mul3A_2] : memref<8192xi32, #tpu.memory_space<hbm>> -> memref<256xi32, #tpu.memory_space<hbm>>
      tpu.enqueue_dma source(%dma_start3A_486 : memref<256xi32, #tpu.memory_space<hbm>>) target(%arg7 : memref<256xi32, #tpu.memory_space<vmem>>) target_semaphore(%run_scoped3A_485 : memref<!tpu.dma_semaphore, #tpu.memory_space<semaphore_mem>>)
      %dma_wait3A = tpu.memref_slice %arg4[%mul3A_2] : memref<8192xi32, #tpu.memory_space<hbm>> -> memref<256xi32, #tpu.memory_space<hbm>>
      %dma_wait3A_487 = tpu.memref_slice %arg4[%mul3A_2] : memref<8192xi32, #tpu.memory_space<hbm>> -> memref<256xi32, #tpu.memory_space<hbm>>
      tpu.wait_dma2 semaphore(%run_scoped3A_485 : memref<!tpu.dma_semaphore, #tpu.memory_space<semaphore_mem>>) src(%dma_wait3A_487 : memref<256xi32, #tpu.memory_space<hbm>>) dst(%arg7 : memref<256xi32, #tpu.memory_space<vmem>>)
      tpu.yield
    }) : () -> ()
    %iota3A = tpu.iota {dimensions = array<i32: 0>} : vector<16xi32>
    %broadcast_in_dim3A = arith.constant -1.000000e+00 : f32
    %broadcast_in_dim3A_3 = vector.broadcast %broadcast_in_dim3A : f32 to vector<16xf32>
    %get3A = arith.constant 0 : index
    %get3A_4 = tpu.vector_load %arg6[%get3A] {strides = array<i32>} : memref<256xi32, #tpu.memory_space<vmem>>, vector<16xi32>,
    %get3A_5 = vector.shape_cast %get3A_4 : vector<16xi32> to vector<16xi32>
    %get3A_6 = arith.constant 0 : index
    %get3A_7 = tpu.vector_load %arg7[%get3A_6] {strides = array<i32>} : memref<256xi32, #tpu.memory_space<vmem>>, vector<16xi32>,
    %get3A_8 = vector.shape_cast %get3A_7 : vector<16xi32> to vector<16xi32>
    %add3A_9 = arith.constant 0 : i32
    %add3A_10 = arith.addi %mul3A_2, %add3A_9 : i32
    %add3A_11 = vector.broadcast %add3A_10 : i32 to vector<16xi32>
    %add3A_12 = arith.addi %add3A_11, %iota3A : vector<16xi32>
    %mul3A_13 = arith.constant 4096 : i32
    %mul3A_14 = vector.broadcast %mul3A_13 : i32 to vector<16xi32>
    %mul3A_15 = arith.muli %add3A_12, %mul3A_14 : vector<16xi32>
    %mul3A_16 = arith.constant 64 : i32
    %mul3A_17 = vector.broadcast %mul3A_16 : i32 to vector<16xi32>
    %mul3A_18 = arith.muli %get3A_5, %mul3A_17 : vector<16xi32>
    %add3A_19 = arith.addi %mul3A_15, %mul3A_18 : vector<16xi32>
    %add3A_20 = arith.addi %add3A_19, %get3A_8 : vector<16xi32>
    %swap3A = arith.constant 0 : i32
    %swap3A_21 = arith.index_cast %swap3A : i32 to index
    %swap3A_22 = arith.constant 0 : index
    %swap3A_23 = tpu.vector_load %arg8[%swap3A_21, %swap3A_22] {strides = array<i32>} : memref<2x128xi32, #tpu.memory_space<vmem>>, vector<1x16xi32>,
    %swap3A_24 = vector.shape_cast %swap3A_23 : vector<1x16xi32> to vector<16xi32>
    %swap3A_25 = vector.shape_cast %add3A_20 : vector<16xi32> to vector<1x16xi32>
    tpu.vector_store %arg8[%swap3A_21, %swap3A_22], %swap3A_25 {strides = array<i32>} : memref<2x128xi32, #tpu.memory_space<vmem>>, vector<1x16xi32>,
    %swap3A_26 = arith.constant 0 : i32
    %swap3A_27 = arith.index_cast %swap3A_26 : i32 to index
    %swap3A_28 = arith.constant 0 : index
    %swap3A_29 = tpu.vector_load %arg9[%swap3A_27, %swap3A_28] {strides = array<i32>} : memref<2x128xf32, #tpu.memory_space<vmem>>, vector<1x16xf32>,
    %swap3A_30 = vector.shape_cast %swap3A_29 : vector<1x16xf32> to vector<16xf32>
    %swap3A_31 = vector.shape_cast %broadcast_in_dim3A_3 : vector<16xf32> to vector<1x16xf32>
    tpu.vector_store %arg9[%swap3A_27, %swap3A_28], %swap3A_31 {strides = array<i32>} : memref<2x128xf32, #tpu.memory_space<vmem>>, vector<1x16xf32>,
    %get3A_32 = arith.constant 16 : index
    %get3A_33 = tpu.vector_load %arg6[%get3A_32] {strides = array<i32>} : memref<256xi32, #tpu.memory_space<vmem>>, vector<16xi32>,
    %get3A_34 = vector.shape_cast %get3A_33 : vector<16xi32> to vector<16xi32>
    %get3A_35 = arith.constant 16 : index
    %get3A_36 = tpu.vector_load %arg7[%get3A_35] {strides = array<i32>} : memref<256xi32, #tpu.memory_space<vmem>>, vector<16xi32>,
    %get3A_37 = vector.shape_cast %get3A_36 : vector<16xi32> to vector<16xi32>
    %add3A_38 = arith.constant 16 : i32
    %add3A_39 = arith.addi %mul3A_2, %add3A_38 : i32
    %add3A_40 = vector.broadcast %add3A_39 : i32 to vector<16xi32>
    %add3A_41 = arith.addi %add3A_40, %iota3A : vector<16xi32>
    %mul3A_42 = arith.constant 4096 : i32
    %mul3A_43 = vector.broadcast %mul3A_42 : i32 to vector<16xi32>
    %mul3A_44 = arith.muli %add3A_41, %mul3A_43 : vector<16xi32>
    %mul3A_45 = arith.constant 64 : i32
    %mul3A_46 = vector.broadcast %mul3A_45 : i32 to vector<16xi32>
    %mul3A_47 = arith.muli %get3A_34, %mul3A_46 : vector<16xi32>
    %add3A_48 = arith.addi %mul3A_44, %mul3A_47 : vector<16xi32>
    %add3A_49 = arith.addi %add3A_48, %get3A_37 : vector<16xi32>
    %swap3A_50 = arith.constant 0 : i32
    %swap3A_51 = arith.index_cast %swap3A_50 : i32 to index
    %swap3A_52 = arith.constant 16 : index
    %swap3A_53 = tpu.vector_load %arg8[%swap3A_51, %swap3A_52] {strides = array<i32>} : memref<2x128xi32, #tpu.memory_space<vmem>>, vector<1x16xi32>,
    %swap3A_54 = vector.shape_cast %swap3A_53 : vector<1x16xi32> to vector<16xi32>
    %swap3A_55 = vector.shape_cast %add3A_49 : vector<16xi32> to vector<1x16xi32>
    tpu.vector_store %arg8[%swap3A_51, %swap3A_52], %swap3A_55 {strides = array<i32>} : memref<2x128xi32, #tpu.memory_space<vmem>>, vector<1x16xi32>,
    %swap3A_56 = arith.constant 0 : i32
    %swap3A_57 = arith.index_cast %swap3A_56 : i32 to index
    %swap3A_58 = arith.constant 16 : index
    %swap3A_59 = tpu.vector_load %arg9[%swap3A_57, %swap3A_58] {strides = array<i32>} : memref<2x128xf32, #tpu.memory_space<vmem>>, vector<1x16xf32>,
    %swap3A_60 = vector.shape_cast %swap3A_59 : vector<1x16xf32> to vector<16xf32>
    %swap3A_61 = vector.shape_cast %broadcast_in_dim3A_3 : vector<16xf32> to vector<1x16xf32>
    tpu.vector_store %arg9[%swap3A_57, %swap3A_58], %swap3A_61 {strides = array<i32>} : memref<2x128xf32, #tpu.memory_space<vmem>>, vector<1x16xf32>,
    %get3A_62 = arith.constant 32 : index
    %get3A_63 = tpu.vector_load %arg6[%get3A_62] {strides = array<i32>} : memref<256xi32, #tpu.memory_space<vmem>>, vector<16xi32>,
    %get3A_64 = vector.shape_cast %get3A_63 : vector<16xi32> to vector<16xi32>
    %get3A_65 = arith.constant 32 : index
    %get3A_66 = tpu.vector_load %arg7[%get3A_65] {strides = array<i32>} : memref<256xi32, #tpu.memory_space<vmem>>, vector<16xi32>,
    %get3A_67 = vector.shape_cast %get3A_66 : vector<16xi32> to vector<16xi32>
    %add3A_68 = arith.constant 32 : i32
    %add3A_69 = arith.addi %mul3A_2, %add3A_68 : i32
    %add3A_70 = vector.broadcast %add3A_69 : i32 to vector<16xi32>
    %add3A_71 = arith.addi %add3A_70, %iota3A : vector<16xi32>
    %mul3A_72 = arith.constant 4096 : i32
    %mul3A_73 = vector.broadcast %mul3A_72 : i32 to vector<16xi32>
    %mul3A_74 = arith.muli %add3A_71, %mul3A_73 : vector<16xi32>
    %mul3A_75 = arith.constant 64 : i32
    %mul3A_76 = vector.broadcast %mul3A_75 : i32 to vector<16xi32>
    %mul3A_77 = arith.muli %get3A_64, %mul3A_76 : vector<16xi32>
    %add3A_78 = arith.addi %mul3A_74, %mul3A_77 : vector<16xi32>
    %add3A_79 = arith.addi %add3A_78, %get3A_67 : vector<16xi32>
    %swap3A_80 = arith.constant 0 : i32
    %swap3A_81 = arith.index_cast %swap3A_80 : i32 to index
    %swap3A_82 = arith.constant 32 : index
    %swap3A_83 = tpu.vector_load %arg8[%swap3A_81, %swap3A_82] {strides = array<i32>} : memref<2x128xi32, #tpu.memory_space<vmem>>, vector<1x16xi32>,
    %swap3A_84 = vector.shape_cast %swap3A_83 : vector<1x16xi32> to vector<16xi32>
    %swap3A_85 = vector.shape_cast %add3A_79 : vector<16xi32> to vector<1x16xi32>
    tpu.vector_store %arg8[%swap3A_81, %swap3A_82], %swap3A_85 {strides = array<i32>} : memref<2x128xi32, #tpu.memory_space<vmem>>, vector<1x16xi32>,
    %swap3A_86 = arith.constant 0 : i32
    %swap3A_87 = arith.index_cast %swap3A_86 : i32 to index
    %swap3A_88 = arith.constant 32 : index
    %swap3A_89 = tpu.vector_load %arg9[%swap3A_87, %swap3A_88] {strides = array<i32>} : memref<2x128xf32, #tpu.memory_space<vmem>>, vector<1x16xf32>,
    %swap3A_90 = vector.shape_cast %swap3A_89 : vector<1x16xf32> to vector<16xf32>
    %swap3A_91 = vector.shape_cast %broadcast_in_dim3A_3 : vector<16xf32> to vector<1x16xf32>
    tpu.vector_store %arg9[%swap3A_87, %swap3A_88], %swap3A_91 {strides = array<i32>} : memref<2x128xf32, #tpu.memory_space<vmem>>, vector<1x16xf32>,
    %get3A_92 = arith.constant 48 : index
    %get3A_93 = tpu.vector_load %arg6[%get3A_92] {strides = array<i32>} : memref<256xi32, #tpu.memory_space<vmem>>, vector<16xi32>,
    %get3A_94 = vector.shape_cast %get3A_93 : vector<16xi32> to vector<16xi32>
    %get3A_95 = arith.constant 48 : index
    %get3A_96 = tpu.vector_load %arg7[%get3A_95] {strides = array<i32>} : memref<256xi32, #tpu.memory_space<vmem>>, vector<16xi32>,
    %get3A_97 = vector.shape_cast %get3A_96 : vector<16xi32> to vector<16xi32>
    %add3A_98 = arith.constant 48 : i32
    %add3A_99 = arith.addi %mul3A_2, %add3A_98 : i32
    %add3A_100 = vector.broadcast %add3A_99 : i32 to vector<16xi32>
    %add3A_101 = arith.addi %add3A_100, %iota3A : vector<16xi32>
    %mul3A_102 = arith.constant 4096 : i32
    %mul3A_103 = vector.broadcast %mul3A_102 : i32 to vector<16xi32>
    %mul3A_104 = arith.muli %add3A_101, %mul3A_103 : vector<16xi32>
    %mul3A_105 = arith.constant 64 : i32
    %mul3A_106 = vector.broadcast %mul3A_105 : i32 to vector<16xi32>
    %mul3A_107 = arith.muli %get3A_94, %mul3A_106 : vector<16xi32>
    %add3A_108 = arith.addi %mul3A_104, %mul3A_107 : vector<16xi32>
    %add3A_109 = arith.addi %add3A_108, %get3A_97 : vector<16xi32>
    %swap3A_110 = arith.constant 0 : i32
    %swap3A_111 = arith.index_cast %swap3A_110 : i32 to index
    %swap3A_112 = arith.constant 48 : index
    %swap3A_113 = tpu.vector_load %arg8[%swap3A_111, %swap3A_112] {strides = array<i32>} : memref<2x128xi32, #tpu.memory_space<vmem>>, vector<1x16xi32>,
    %swap3A_114 = vector.shape_cast %swap3A_113 : vector<1x16xi32> to vector<16xi32>
    %swap3A_115 = vector.shape_cast %add3A_109 : vector<16xi32> to vector<1x16xi32>
    tpu.vector_store %arg8[%swap3A_111, %swap3A_112], %swap3A_115 {strides = array<i32>} : memref<2x128xi32, #tpu.memory_space<vmem>>, vector<1x16xi32>,
    %swap3A_116 = arith.constant 0 : i32
    %swap3A_117 = arith.index_cast %swap3A_116 : i32 to index
    %swap3A_118 = arith.constant 48 : index
    %swap3A_119 = tpu.vector_load %arg9[%swap3A_117, %swap3A_118] {strides = array<i32>} : memref<2x128xf32, #tpu.memory_space<vmem>>, vector<1x16xf32>,
    %swap3A_120 = vector.shape_cast %swap3A_119 : vector<1x16xf32> to vector<16xf32>
    %swap3A_121 = vector.shape_cast %broadcast_in_dim3A_3 : vector<16xf32> to vector<1x16xf32>
    tpu.vector_store %arg9[%swap3A_117, %swap3A_118], %swap3A_121 {strides = array<i32>} : memref<2x128xf32, #tpu.memory_space<vmem>>, vector<1x16xf32>,
    %get3A_122 = arith.constant 64 : index
    %get3A_123 = tpu.vector_load %arg6[%get3A_122] {strides = array<i32>} : memref<256xi32, #tpu.memory_space<vmem>>, vector<16xi32>,
    %get3A_124 = vector.shape_cast %get3A_123 : vector<16xi32> to vector<16xi32>
    %get3A_125 = arith.constant 64 : index
    %get3A_126 = tpu.vector_load %arg7[%get3A_125] {strides = array<i32>} : memref<256xi32, #tpu.memory_space<vmem>>, vector<16xi32>,
    %get3A_127 = vector.shape_cast %get3A_126 : vector<16xi32> to vector<16xi32>
    %add3A_128 = arith.constant 64 : i32
    %add3A_129 = arith.addi %mul3A_2, %add3A_128 : i32
    %add3A_130 = vector.broadcast %add3A_129 : i32 to vector<16xi32>
    %add3A_131 = arith.addi %add3A_130, %iota3A : vector<16xi32>
    %mul3A_132 = arith.constant 4096 : i32
    %mul3A_133 = vector.broadcast %mul3A_132 : i32 to vector<16xi32>
    %mul3A_134 = arith.muli %add3A_131, %mul3A_133 : vector<16xi32>
    %mul3A_135 = arith.constant 64 : i32
    %mul3A_136 = vector.broadcast %mul3A_135 : i32 to vector<16xi32>
    %mul3A_137 = arith.muli %get3A_124, %mul3A_136 : vector<16xi32>
    %add3A_138 = arith.addi %mul3A_134, %mul3A_137 : vector<16xi32>
    %add3A_139 = arith.addi %add3A_138, %get3A_127 : vector<16xi32>
    %swap3A_140 = arith.constant 0 : i32
    %swap3A_141 = arith.index_cast %swap3A_140 : i32 to index
    %swap3A_142 = arith.constant 64 : index
    %swap3A_143 = tpu.vector_load %arg8[%swap3A_141, %swap3A_142] {strides = array<i32>} : memref<2x128xi32, #tpu.memory_space<vmem>>, vector<1x16xi32>,
    %swap3A_144 = vector.shape_cast %swap3A_143 : vector<1x16xi32> to vector<16xi32>
    %swap3A_145 = vector.shape_cast %add3A_139 : vector<16xi32> to vector<1x16xi32>
    tpu.vector_store %arg8[%swap3A_141, %swap3A_142], %swap3A_145 {strides = array<i32>} : memref<2x128xi32, #tpu.memory_space<vmem>>, vector<1x16xi32>,
    %swap3A_146 = arith.constant 0 : i32
    %swap3A_147 = arith.index_cast %swap3A_146 : i32 to index
    %swap3A_148 = arith.constant 64 : index
    %swap3A_149 = tpu.vector_load %arg9[%swap3A_147, %swap3A_148] {strides = array<i32>} : memref<2x128xf32, #tpu.memory_space<vmem>>, vector<1x16xf32>,
    %swap3A_150 = vector.shape_cast %swap3A_149 : vector<1x16xf32> to vector<16xf32>
    %swap3A_151 = vector.shape_cast %broadcast_in_dim3A_3 : vector<16xf32> to vector<1x16xf32>
    tpu.vector_store %arg9[%swap3A_147, %swap3A_148], %swap3A_151 {strides = array<i32>} : memref<2x128xf32, #tpu.memory_space<vmem>>, vector<1x16xf32>,
    %get3A_152 = arith.constant 80 : index
    %get3A_153 = tpu.vector_load %arg6[%get3A_152] {strides = array<i32>} : memref<256xi32, #tpu.memory_space<vmem>>, vector<16xi32>,
    %get3A_154 = vector.shape_cast %get3A_153 : vector<16xi32> to vector<16xi32>
    %get3A_155 = arith.constant 80 : index
    %get3A_156 = tpu.vector_load %arg7[%get3A_155] {strides = array<i32>} : memref<256xi32, #tpu.memory_space<vmem>>, vector<16xi32>,
    %get3A_157 = vector.shape_cast %get3A_156 : vector<16xi32> to vector<16xi32>
    %add3A_158 = arith.constant 80 : i32
    %add3A_159 = arith.addi %mul3A_2, %add3A_158 : i32
    %add3A_160 = vector.broadcast %add3A_159 : i32 to vector<16xi32>
    %add3A_161 = arith.addi %add3A_160, %iota3A : vector<16xi32>
    %mul3A_162 = arith.constant 4096 : i32
    %mul3A_163 = vector.broadcast %mul3A_162 : i32 to vector<16xi32>
    %mul3A_164 = arith.muli %add3A_161, %mul3A_163 : vector<16xi32>
    %mul3A_165 = arith.constant 64 : i32
    %mul3A_166 = vector.broadcast %mul3A_165 : i32 to vector<16xi32>
    %mul3A_167 = arith.muli %get3A_154, %mul3A_166 : vector<16xi32>
    %add3A_168 = arith.addi %mul3A_164, %mul3A_167 : vector<16xi32>
    %add3A_169 = arith.addi %add3A_168, %get3A_157 : vector<16xi32>
    %swap3A_170 = arith.constant 0 : i32
    %swap3A_171 = arith.index_cast %swap3A_170 : i32 to index
    %swap3A_172 = arith.constant 80 : index
    %swap3A_173 = tpu.vector_load %arg8[%swap3A_171, %swap3A_172] {strides = array<i32>} : memref<2x128xi32, #tpu.memory_space<vmem>>, vector<1x16xi32>,
    %swap3A_174 = vector.shape_cast %swap3A_173 : vector<1x16xi32> to vector<16xi32>
    %swap3A_175 = vector.shape_cast %add3A_169 : vector<16xi32> to vector<1x16xi32>
    tpu.vector_store %arg8[%swap3A_171, %swap3A_172], %swap3A_175 {strides = array<i32>} : memref<2x128xi32, #tpu.memory_space<vmem>>, vector<1x16xi32>,
    %swap3A_176 = arith.constant 0 : i32
    %swap3A_177 = arith.index_cast %swap3A_176 : i32 to index
    %swap3A_178 = arith.constant 80 : index
    %swap3A_179 = tpu.vector_load %arg9[%swap3A_177, %swap3A_178] {strides = array<i32>} : memref<2x128xf32, #tpu.memory_space<vmem>>, vector<1x16xf32>,
    %swap3A_180 = vector.shape_cast %swap3A_179 : vector<1x16xf32> to vector<16xf32>
    %swap3A_181 = vector.shape_cast %broadcast_in_dim3A_3 : vector<16xf32> to vector<1x16xf32>
    tpu.vector_store %arg9[%swap3A_177, %swap3A_178], %swap3A_181 {strides = array<i32>} : memref<2x128xf32, #tpu.memory_space<vmem>>, vector<1x16xf32>,
    %get3A_182 = arith.constant 96 : index
    %get3A_183 = tpu.vector_load %arg6[%get3A_182] {strides = array<i32>} : memref<256xi32, #tpu.memory_space<vmem>>, vector<16xi32>,
    %get3A_184 = vector.shape_cast %get3A_183 : vector<16xi32> to vector<16xi32>
    %get3A_185 = arith.constant 96 : index
    %get3A_186 = tpu.vector_load %arg7[%get3A_185] {strides = array<i32>} : memref<256xi32, #tpu.memory_space<vmem>>, vector<16xi32>,
    %get3A_187 = vector.shape_cast %get3A_186 : vector<16xi32> to vector<16xi32>
    %add3A_188 = arith.constant 96 : i32
    %add3A_189 = arith.addi %mul3A_2, %add3A_188 : i32
    %add3A_190 = vector.broadcast %add3A_189 : i32 to vector<16xi32>
    %add3A_191 = arith.addi %add3A_190, %iota3A : vector<16xi32>
    %mul3A_192 = arith.constant 4096 : i32
    %mul3A_193 = vector.broadcast %mul3A_192 : i32 to vector<16xi32>
    %mul3A_194 = arith.muli %add3A_191, %mul3A_193 : vector<16xi32>
    %mul3A_195 = arith.constant 64 : i32
    %mul3A_196 = vector.broadcast %mul3A_195 : i32 to vector<16xi32>
    %mul3A_197 = arith.muli %get3A_184, %mul3A_196 : vector<16xi32>
    %add3A_198 = arith.addi %mul3A_194, %mul3A_197 : vector<16xi32>
    %add3A_199 = arith.addi %add3A_198, %get3A_187 : vector<16xi32>
    %swap3A_200 = arith.constant 0 : i32
    %swap3A_201 = arith.index_cast %swap3A_200 : i32 to index
    %swap3A_202 = arith.constant 96 : index
    %swap3A_203 = tpu.vector_load %arg8[%swap3A_201, %swap3A_202] {strides = array<i32>} : memref<2x128xi32, #tpu.memory_space<vmem>>, vector<1x16xi32>,
    %swap3A_204 = vector.shape_cast %swap3A_203 : vector<1x16xi32> to vector<16xi32>
    %swap3A_205 = vector.shape_cast %add3A_199 : vector<16xi32> to vector<1x16xi32>
    tpu.vector_store %arg8[%swap3A_201, %swap3A_202], %swap3A_205 {strides = array<i32>} : memref<2x128xi32, #tpu.memory_space<vmem>>, vector<1x16xi32>,
    %swap3A_206 = arith.constant 0 : i32
    %swap3A_207 = arith.index_cast %swap3A_206 : i32 to index
    %swap3A_208 = arith.constant 96 : index
    %swap3A_209 = tpu.vector_load %arg9[%swap3A_207, %swap3A_208] {strides = array<i32>} : memref<2x128xf32, #tpu.memory_space<vmem>>, vector<1x16xf32>,
    %swap3A_210 = vector.shape_cast %swap3A_209 : vector<1x16xf32> to vector<16xf32>
    %swap3A_211 = vector.shape_cast %broadcast_in_dim3A_3 : vector<16xf32> to vector<1x16xf32>
    tpu.vector_store %arg9[%swap3A_207, %swap3A_208], %swap3A_211 {strides = array<i32>} : memref<2x128xf32, #tpu.memory_space<vmem>>, vector<1x16xf32>,
    %get3A_212 = arith.constant 112 : index
    %get3A_213 = tpu.vector_load %arg6[%get3A_212] {strides = array<i32>} : memref<256xi32, #tpu.memory_space<vmem>>, vector<16xi32>,
    %get3A_214 = vector.shape_cast %get3A_213 : vector<16xi32> to vector<16xi32>
    %get3A_215 = arith.constant 112 : index
    %get3A_216 = tpu.vector_load %arg7[%get3A_215] {strides = array<i32>} : memref<256xi32, #tpu.memory_space<vmem>>, vector<16xi32>,
    %get3A_217 = vector.shape_cast %get3A_216 : vector<16xi32> to vector<16xi32>
    %add3A_218 = arith.constant 112 : i32
    %add3A_219 = arith.addi %mul3A_2, %add3A_218 : i32
    %add3A_220 = vector.broadcast %add3A_219 : i32 to vector<16xi32>
    %add3A_221 = arith.addi %add3A_220, %iota3A : vector<16xi32>
    %mul3A_222 = arith.constant 4096 : i32
    %mul3A_223 = vector.broadcast %mul3A_222 : i32 to vector<16xi32>
    %mul3A_224 = arith.muli %add3A_221, %mul3A_223 : vector<16xi32>
    %mul3A_225 = arith.constant 64 : i32
    %mul3A_226 = vector.broadcast %mul3A_225 : i32 to vector<16xi32>
    %mul3A_227 = arith.muli %get3A_214, %mul3A_226 : vector<16xi32>
    %add3A_228 = arith.addi %mul3A_224, %mul3A_227 : vector<16xi32>
    %add3A_229 = arith.addi %add3A_228, %get3A_217 : vector<16xi32>
    %swap3A_230 = arith.constant 0 : i32
    %swap3A_231 = arith.index_cast %swap3A_230 : i32 to index
    %swap3A_232 = arith.constant 112 : index
    %swap3A_233 = tpu.vector_load %arg8[%swap3A_231, %swap3A_232] {strides = array<i32>} : memref<2x128xi32, #tpu.memory_space<vmem>>, vector<1x16xi32>,
    %swap3A_234 = vector.shape_cast %swap3A_233 : vector<1x16xi32> to vector<16xi32>
    %swap3A_235 = vector.shape_cast %add3A_229 : vector<16xi32> to vector<1x16xi32>
    tpu.vector_store %arg8[%swap3A_231, %swap3A_232], %swap3A_235 {strides = array<i32>} : memref<2x128xi32, #tpu.memory_space<vmem>>, vector<1x16xi32>,
    %swap3A_236 = arith.constant 0 : i32
    %swap3A_237 = arith.index_cast %swap3A_236 : i32 to index
    %swap3A_238 = arith.constant 112 : index
    %swap3A_239 = tpu.vector_load %arg9[%swap3A_237, %swap3A_238] {strides = array<i32>} : memref<2x128xf32, #tpu.memory_space<vmem>>, vector<1x16xf32>,
    %swap3A_240 = vector.shape_cast %swap3A_239 : vector<1x16xf32> to vector<16xf32>
    %swap3A_241 = vector.shape_cast %broadcast_in_dim3A_3 : vector<16xf32> to vector<1x16xf32>
    tpu.vector_store %arg9[%swap3A_237, %swap3A_238], %swap3A_241 {strides = array<i32>} : memref<2x128xf32, #tpu.memory_space<vmem>>, vector<1x16xf32>,
    %get3A_242 = arith.constant 128 : index
    %get3A_243 = tpu.vector_load %arg6[%get3A_242] {strides = array<i32>} : memref<256xi32, #tpu.memory_space<vmem>>, vector<16xi32>,
    %get3A_244 = vector.shape_cast %get3A_243 : vector<16xi32> to vector<16xi32>
    %get3A_245 = arith.constant 128 : index
    %get3A_246 = tpu.vector_load %arg7[%get3A_245] {strides = array<i32>} : memref<256xi32, #tpu.memory_space<vmem>>, vector<16xi32>,
    %get3A_247 = vector.shape_cast %get3A_246 : vector<16xi32> to vector<16xi32>
    %add3A_248 = arith.constant 128 : i32
    %add3A_249 = arith.addi %mul3A_2, %add3A_248 : i32
    %add3A_250 = vector.broadcast %add3A_249 : i32 to vector<16xi32>
    %add3A_251 = arith.addi %add3A_250, %iota3A : vector<16xi32>
    %mul3A_252 = arith.constant 4096 : i32
    %mul3A_253 = vector.broadcast %mul3A_252 : i32 to vector<16xi32>
    %mul3A_254 = arith.muli %add3A_251, %mul3A_253 : vector<16xi32>
    %mul3A_255 = arith.constant 64 : i32
    %mul3A_256 = vector.broadcast %mul3A_255 : i32 to vector<16xi32>
    %mul3A_257 = arith.muli %get3A_244, %mul3A_256 : vector<16xi32>
    %add3A_258 = arith.addi %mul3A_254, %mul3A_257 : vector<16xi32>
    %add3A_259 = arith.addi %add3A_258, %get3A_247 : vector<16xi32>
    %swap3A_260 = arith.constant 1 : i32
    %swap3A_261 = arith.index_cast %swap3A_260 : i32 to index
    %swap3A_262 = arith.constant 0 : index
    %swap3A_263 = tpu.vector_load %arg8[%swap3A_261, %swap3A_262] {strides = array<i32>} : memref<2x128xi32, #tpu.memory_space<vmem>>, vector<1x16xi32>,
    %swap3A_264 = vector.shape_cast %swap3A_263 : vector<1x16xi32> to vector<16xi32>
    %swap3A_265 = vector.shape_cast %add3A_259 : vector<16xi32> to vector<1x16xi32>
    tpu.vector_store %arg8[%swap3A_261, %swap3A_262], %swap3A_265 {strides = array<i32>} : memref<2x128xi32, #tpu.memory_space<vmem>>, vector<1x16xi32>,
    %swap3A_266 = arith.constant 1 : i32
    %swap3A_267 = arith.index_cast %swap3A_266 : i32 to index
    %swap3A_268 = arith.constant 0 : index
    %swap3A_269 = tpu.vector_load %arg9[%swap3A_267, %swap3A_268] {strides = array<i32>} : memref<2x128xf32, #tpu.memory_space<vmem>>, vector<1x16xf32>,
    %swap3A_270 = vector.shape_cast %swap3A_269 : vector<1x16xf32> to vector<16xf32>
    %swap3A_271 = vector.shape_cast %broadcast_in_dim3A_3 : vector<16xf32> to vector<1x16xf32>
    tpu.vector_store %arg9[%swap3A_267, %swap3A_268], %swap3A_271 {strides = array<i32>} : memref<2x128xf32, #tpu.memory_space<vmem>>, vector<1x16xf32>,
    %get3A_272 = arith.constant 144 : index
    %get3A_273 = tpu.vector_load %arg6[%get3A_272] {strides = array<i32>} : memref<256xi32, #tpu.memory_space<vmem>>, vector<16xi32>,
    %get3A_274 = vector.shape_cast %get3A_273 : vector<16xi32> to vector<16xi32>
    %get3A_275 = arith.constant 144 : index
    %get3A_276 = tpu.vector_load %arg7[%get3A_275] {strides = array<i32>} : memref<256xi32, #tpu.memory_space<vmem>>, vector<16xi32>,
    %get3A_277 = vector.shape_cast %get3A_276 : vector<16xi32> to vector<16xi32>
    %add3A_278 = arith.constant 144 : i32
    %add3A_279 = arith.addi %mul3A_2, %add3A_278 : i32
    %add3A_280 = vector.broadcast %add3A_279 : i32 to vector<16xi32>
    %add3A_281 = arith.addi %add3A_280, %iota3A : vector<16xi32>
    %mul3A_282 = arith.constant 4096 : i32
    %mul3A_283 = vector.broadcast %mul3A_282 : i32 to vector<16xi32>
    %mul3A_284 = arith.muli %add3A_281, %mul3A_283 : vector<16xi32>
    %mul3A_285 = arith.constant 64 : i32
    %mul3A_286 = vector.broadcast %mul3A_285 : i32 to vector<16xi32>
    %mul3A_287 = arith.muli %get3A_274, %mul3A_286 : vector<16xi32>
    %add3A_288 = arith.addi %mul3A_284, %mul3A_287 : vector<16xi32>
    %add3A_289 = arith.addi %add3A_288, %get3A_277 : vector<16xi32>
    %swap3A_290 = arith.constant 1 : i32
    %swap3A_291 = arith.index_cast %swap3A_290 : i32 to index
    %swap3A_292 = arith.constant 16 : index
    %swap3A_293 = tpu.vector_load %arg8[%swap3A_291, %swap3A_292] {strides = array<i32>} : memref<2x128xi32, #tpu.memory_space<vmem>>, vector<1x16xi32>,
    %swap3A_294 = vector.shape_cast %swap3A_293 : vector<1x16xi32> to vector<16xi32>
    %swap3A_295 = vector.shape_cast %add3A_289 : vector<16xi32> to vector<1x16xi32>
    tpu.vector_store %arg8[%swap3A_291, %swap3A_292], %swap3A_295 {strides = array<i32>} : memref<2x128xi32, #tpu.memory_space<vmem>>, vector<1x16xi32>,
    %swap3A_296 = arith.constant 1 : i32
    %swap3A_297 = arith.index_cast %swap3A_296 : i32 to index
    %swap3A_298 = arith.constant 16 : index
    %swap3A_299 = tpu.vector_load %arg9[%swap3A_297, %swap3A_298] {strides = array<i32>} : memref<2x128xf32, #tpu.memory_space<vmem>>, vector<1x16xf32>,
    %swap3A_300 = vector.shape_cast %swap3A_299 : vector<1x16xf32> to vector<16xf32>
    %swap3A_301 = vector.shape_cast %broadcast_in_dim3A_3 : vector<16xf32> to vector<1x16xf32>
    tpu.vector_store %arg9[%swap3A_297, %swap3A_298], %swap3A_301 {strides = array<i32>} : memref<2x128xf32, #tpu.memory_space<vmem>>, vector<1x16xf32>,
    %get3A_302 = arith.constant 160 : index
    %get3A_303 = tpu.vector_load %arg6[%get3A_302] {strides = array<i32>} : memref<256xi32, #tpu.memory_space<vmem>>, vector<16xi32>,
    %get3A_304 = vector.shape_cast %get3A_303 : vector<16xi32> to vector<16xi32>
    %get3A_305 = arith.constant 160 : index
    %get3A_306 = tpu.vector_load %arg7[%get3A_305] {strides = array<i32>} : memref<256xi32, #tpu.memory_space<vmem>>, vector<16xi32>,
    %get3A_307 = vector.shape_cast %get3A_306 : vector<16xi32> to vector<16xi32>
    %add3A_308 = arith.constant 160 : i32
    %add3A_309 = arith.addi %mul3A_2, %add3A_308 : i32
    %add3A_310 = vector.broadcast %add3A_309 : i32 to vector<16xi32>
    %add3A_311 = arith.addi %add3A_310, %iota3A : vector<16xi32>
    %mul3A_312 = arith.constant 4096 : i32
    %mul3A_313 = vector.broadcast %mul3A_312 : i32 to vector<16xi32>
    %mul3A_314 = arith.muli %add3A_311, %mul3A_313 : vector<16xi32>
    %mul3A_315 = arith.constant 64 : i32
    %mul3A_316 = vector.broadcast %mul3A_315 : i32 to vector<16xi32>
    %mul3A_317 = arith.muli %get3A_304, %mul3A_316 : vector<16xi32>
    %add3A_318 = arith.addi %mul3A_314, %mul3A_317 : vector<16xi32>
    %add3A_319 = arith.addi %add3A_318, %get3A_307 : vector<16xi32>
    %swap3A_320 = arith.constant 1 : i32
    %swap3A_321 = arith.index_cast %swap3A_320 : i32 to index
    %swap3A_322 = arith.constant 32 : index
    %swap3A_323 = tpu.vector_load %arg8[%swap3A_321, %swap3A_322] {strides = array<i32>} : memref<2x128xi32, #tpu.memory_space<vmem>>, vector<1x16xi32>,
    %swap3A_324 = vector.shape_cast %swap3A_323 : vector<1x16xi32> to vector<16xi32>
    %swap3A_325 = vector.shape_cast %add3A_319 : vector<16xi32> to vector<1x16xi32>
    tpu.vector_store %arg8[%swap3A_321, %swap3A_322], %swap3A_325 {strides = array<i32>} : memref<2x128xi32, #tpu.memory_space<vmem>>, vector<1x16xi32>,
    %swap3A_326 = arith.constant 1 : i32
    %swap3A_327 = arith.index_cast %swap3A_326 : i32 to index
    %swap3A_328 = arith.constant 32 : index
    %swap3A_329 = tpu.vector_load %arg9[%swap3A_327, %swap3A_328] {strides = array<i32>} : memref<2x128xf32, #tpu.memory_space<vmem>>, vector<1x16xf32>,
    %swap3A_330 = vector.shape_cast %swap3A_329 : vector<1x16xf32> to vector<16xf32>
    %swap3A_331 = vector.shape_cast %broadcast_in_dim3A_3 : vector<16xf32> to vector<1x16xf32>
    tpu.vector_store %arg9[%swap3A_327, %swap3A_328], %swap3A_331 {strides = array<i32>} : memref<2x128xf32, #tpu.memory_space<vmem>>, vector<1x16xf32>,
    %get3A_332 = arith.constant 176 : index
    %get3A_333 = tpu.vector_load %arg6[%get3A_332] {strides = array<i32>} : memref<256xi32, #tpu.memory_space<vmem>>, vector<16xi32>,
    %get3A_334 = vector.shape_cast %get3A_333 : vector<16xi32> to vector<16xi32>
    %get3A_335 = arith.constant 176 : index
    %get3A_336 = tpu.vector_load %arg7[%get3A_335] {strides = array<i32>} : memref<256xi32, #tpu.memory_space<vmem>>, vector<16xi32>,
    %get3A_337 = vector.shape_cast %get3A_336 : vector<16xi32> to vector<16xi32>
    %add3A_338 = arith.constant 176 : i32
    %add3A_339 = arith.addi %mul3A_2, %add3A_338 : i32
    %add3A_340 = vector.broadcast %add3A_339 : i32 to vector<16xi32>
    %add3A_341 = arith.addi %add3A_340, %iota3A : vector<16xi32>
    %mul3A_342 = arith.constant 4096 : i32
    %mul3A_343 = vector.broadcast %mul3A_342 : i32 to vector<16xi32>
    %mul3A_344 = arith.muli %add3A_341, %mul3A_343 : vector<16xi32>
    %mul3A_345 = arith.constant 64 : i32
    %mul3A_346 = vector.broadcast %mul3A_345 : i32 to vector<16xi32>
    %mul3A_347 = arith.muli %get3A_334, %mul3A_346 : vector<16xi32>
    %add3A_348 = arith.addi %mul3A_344, %mul3A_347 : vector<16xi32>
    %add3A_349 = arith.addi %add3A_348, %get3A_337 : vector<16xi32>
    %swap3A_350 = arith.constant 1 : i32
    %swap3A_351 = arith.index_cast %swap3A_350 : i32 to index
    %swap3A_352 = arith.constant 48 : index
    %swap3A_353 = tpu.vector_load %arg8[%swap3A_351, %swap3A_352] {strides = array<i32>} : memref<2x128xi32, #tpu.memory_space<vmem>>, vector<1x16xi32>,
    %swap3A_354 = vector.shape_cast %swap3A_353 : vector<1x16xi32> to vector<16xi32>
    %swap3A_355 = vector.shape_cast %add3A_349 : vector<16xi32> to vector<1x16xi32>
    tpu.vector_store %arg8[%swap3A_351, %swap3A_352], %swap3A_355 {strides = array<i32>} : memref<2x128xi32, #tpu.memory_space<vmem>>, vector<1x16xi32>,
    %swap3A_356 = arith.constant 1 : i32
    %swap3A_357 = arith.index_cast %swap3A_356 : i32 to index
    %swap3A_358 = arith.constant 48 : index
    %swap3A_359 = tpu.vector_load %arg9[%swap3A_357, %swap3A_358] {strides = array<i32>} : memref<2x128xf32, #tpu.memory_space<vmem>>, vector<1x16xf32>,
    %swap3A_360 = vector.shape_cast %swap3A_359 : vector<1x16xf32> to vector<16xf32>
    %swap3A_361 = vector.shape_cast %broadcast_in_dim3A_3 : vector<16xf32> to vector<1x16xf32>
    tpu.vector_store %arg9[%swap3A_357, %swap3A_358], %swap3A_361 {strides = array<i32>} : memref<2x128xf32, #tpu.memory_space<vmem>>, vector<1x16xf32>,
    %get3A_362 = arith.constant 192 : index
    %get3A_363 = tpu.vector_load %arg6[%get3A_362] {strides = array<i32>} : memref<256xi32, #tpu.memory_space<vmem>>, vector<16xi32>,
    %get3A_364 = vector.shape_cast %get3A_363 : vector<16xi32> to vector<16xi32>
    %get3A_365 = arith.constant 192 : index
    %get3A_366 = tpu.vector_load %arg7[%get3A_365] {strides = array<i32>} : memref<256xi32, #tpu.memory_space<vmem>>, vector<16xi32>,
    %get3A_367 = vector.shape_cast %get3A_366 : vector<16xi32> to vector<16xi32>
    %add3A_368 = arith.constant 192 : i32
    %add3A_369 = arith.addi %mul3A_2, %add3A_368 : i32
    %add3A_370 = vector.broadcast %add3A_369 : i32 to vector<16xi32>
    %add3A_371 = arith.addi %add3A_370, %iota3A : vector<16xi32>
    %mul3A_372 = arith.constant 4096 : i32
    %mul3A_373 = vector.broadcast %mul3A_372 : i32 to vector<16xi32>
    %mul3A_374 = arith.muli %add3A_371, %mul3A_373 : vector<16xi32>
    %mul3A_375 = arith.constant 64 : i32
    %mul3A_376 = vector.broadcast %mul3A_375 : i32 to vector<16xi32>
    %mul3A_377 = arith.muli %get3A_364, %mul3A_376 : vector<16xi32>
    %add3A_378 = arith.addi %mul3A_374, %mul3A_377 : vector<16xi32>
    %add3A_379 = arith.addi %add3A_378, %get3A_367 : vector<16xi32>
    %swap3A_380 = arith.constant 1 : i32
    %swap3A_381 = arith.index_cast %swap3A_380 : i32 to index
    %swap3A_382 = arith.constant 64 : index
    %swap3A_383 = tpu.vector_load %arg8[%swap3A_381, %swap3A_382] {strides = array<i32>} : memref<2x128xi32, #tpu.memory_space<vmem>>, vector<1x16xi32>,
    %swap3A_384 = vector.shape_cast %swap3A_383 : vector<1x16xi32> to vector<16xi32>
    %swap3A_385 = vector.shape_cast %add3A_379 : vector<16xi32> to vector<1x16xi32>
    tpu.vector_store %arg8[%swap3A_381, %swap3A_382], %swap3A_385 {strides = array<i32>} : memref<2x128xi32, #tpu.memory_space<vmem>>, vector<1x16xi32>,
    %swap3A_386 = arith.constant 1 : i32
    %swap3A_387 = arith.index_cast %swap3A_386 : i32 to index
    %swap3A_388 = arith.constant 64 : index
    %swap3A_389 = tpu.vector_load %arg9[%swap3A_387, %swap3A_388] {strides = array<i32>} : memref<2x128xf32, #tpu.memory_space<vmem>>, vector<1x16xf32>,
    %swap3A_390 = vector.shape_cast %swap3A_389 : vector<1x16xf32> to vector<16xf32>
    %swap3A_391 = vector.shape_cast %broadcast_in_dim3A_3 : vector<16xf32> to vector<1x16xf32>
    tpu.vector_store %arg9[%swap3A_387, %swap3A_388], %swap3A_391 {strides = array<i32>} : memref<2x128xf32, #tpu.memory_space<vmem>>, vector<1x16xf32>,
    %get3A_392 = arith.constant 208 : index
    %get3A_393 = tpu.vector_load %arg6[%get3A_392] {strides = array<i32>} : memref<256xi32, #tpu.memory_space<vmem>>, vector<16xi32>,
    %get3A_394 = vector.shape_cast %get3A_393 : vector<16xi32> to vector<16xi32>
    %get3A_395 = arith.constant 208 : index
    %get3A_396 = tpu.vector_load %arg7[%get3A_395] {strides = array<i32>} : memref<256xi32, #tpu.memory_space<vmem>>, vector<16xi32>,
    %get3A_397 = vector.shape_cast %get3A_396 : vector<16xi32> to vector<16xi32>
    %add3A_398 = arith.constant 208 : i32
    %add3A_399 = arith.addi %mul3A_2, %add3A_398 : i32
    %add3A_400 = vector.broadcast %add3A_399 : i32 to vector<16xi32>
    %add3A_401 = arith.addi %add3A_400, %iota3A : vector<16xi32>
    %mul3A_402 = arith.constant 4096 : i32
    %mul3A_403 = vector.broadcast %mul3A_402 : i32 to vector<16xi32>
    %mul3A_404 = arith.muli %add3A_401, %mul3A_403 : vector<16xi32>
    %mul3A_405 = arith.constant 64 : i32
    %mul3A_406 = vector.broadcast %mul3A_405 : i32 to vector<16xi32>
    %mul3A_407 = arith.muli %get3A_394, %mul3A_406 : vector<16xi32>
    %add3A_408 = arith.addi %mul3A_404, %mul3A_407 : vector<16xi32>
    %add3A_409 = arith.addi %add3A_408, %get3A_397 : vector<16xi32>
    %swap3A_410 = arith.constant 1 : i32
    %swap3A_411 = arith.index_cast %swap3A_410 : i32 to index
    %swap3A_412 = arith.constant 80 : index
    %swap3A_413 = tpu.vector_load %arg8[%swap3A_411, %swap3A_412] {strides = array<i32>} : memref<2x128xi32, #tpu.memory_space<vmem>>, vector<1x16xi32>,
    %swap3A_414 = vector.shape_cast %swap3A_413 : vector<1x16xi32> to vector<16xi32>
    %swap3A_415 = vector.shape_cast %add3A_409 : vector<16xi32> to vector<1x16xi32>
    tpu.vector_store %arg8[%swap3A_411, %swap3A_412], %swap3A_415 {strides = array<i32>} : memref<2x128xi32, #tpu.memory_space<vmem>>, vector<1x16xi32>,
    %swap3A_416 = arith.constant 1 : i32
    %swap3A_417 = arith.index_cast %swap3A_416 : i32 to index
    %swap3A_418 = arith.constant 80 : index
    %swap3A_419 = tpu.vector_load %arg9[%swap3A_417, %swap3A_418] {strides = array<i32>} : memref<2x128xf32, #tpu.memory_space<vmem>>, vector<1x16xf32>,
    %swap3A_420 = vector.shape_cast %swap3A_419 : vector<1x16xf32> to vector<16xf32>
    %swap3A_421 = vector.shape_cast %broadcast_in_dim3A_3 : vector<16xf32> to vector<1x16xf32>
    tpu.vector_store %arg9[%swap3A_417, %swap3A_418], %swap3A_421 {strides = array<i32>} : memref<2x128xf32, #tpu.memory_space<vmem>>, vector<1x16xf32>,
    %get3A_422 = arith.constant 224 : index
    %get3A_423 = tpu.vector_load %arg6[%get3A_422] {strides = array<i32>} : memref<256xi32, #tpu.memory_space<vmem>>, vector<16xi32>,
    %get3A_424 = vector.shape_cast %get3A_423 : vector<16xi32> to vector<16xi32>
    %get3A_425 = arith.constant 224 : index
    %get3A_426 = tpu.vector_load %arg7[%get3A_425] {strides = array<i32>} : memref<256xi32, #tpu.memory_space<vmem>>, vector<16xi32>,
    %get3A_427 = vector.shape_cast %get3A_426 : vector<16xi32> to vector<16xi32>
    %add3A_428 = arith.constant 224 : i32
    %add3A_429 = arith.addi %mul3A_2, %add3A_428 : i32
    %add3A_430 = vector.broadcast %add3A_429 : i32 to vector<16xi32>
    %add3A_431 = arith.addi %add3A_430, %iota3A : vector<16xi32>
    %mul3A_432 = arith.constant 4096 : i32
    %mul3A_433 = vector.broadcast %mul3A_432 : i32 to vector<16xi32>
    %mul3A_434 = arith.muli %add3A_431, %mul3A_433 : vector<16xi32>
    %mul3A_435 = arith.constant 64 : i32
    %mul3A_436 = vector.broadcast %mul3A_435 : i32 to vector<16xi32>
    %mul3A_437 = arith.muli %get3A_424, %mul3A_436 : vector<16xi32>
    %add3A_438 = arith.addi %mul3A_434, %mul3A_437 : vector<16xi32>
    %add3A_439 = arith.addi %add3A_438, %get3A_427 : vector<16xi32>
    %swap3A_440 = arith.constant 1 : i32
    %swap3A_441 = arith.index_cast %swap3A_440 : i32 to index
    %swap3A_442 = arith.constant 96 : index
    %swap3A_443 = tpu.vector_load %arg8[%swap3A_441, %swap3A_442] {strides = array<i32>} : memref<2x128xi32, #tpu.memory_space<vmem>>, vector<1x16xi32>,
    %swap3A_444 = vector.shape_cast %swap3A_443 : vector<1x16xi32> to vector<16xi32>
    %swap3A_445 = vector.shape_cast %add3A_439 : vector<16xi32> to vector<1x16xi32>
    tpu.vector_store %arg8[%swap3A_441, %swap3A_442], %swap3A_445 {strides = array<i32>} : memref<2x128xi32, #tpu.memory_space<vmem>>, vector<1x16xi32>,
    %swap3A_446 = arith.constant 1 : i32
    %swap3A_447 = arith.index_cast %swap3A_446 : i32 to index
    %swap3A_448 = arith.constant 96 : index
    %swap3A_449 = tpu.vector_load %arg9[%swap3A_447, %swap3A_448] {strides = array<i32>} : memref<2x128xf32, #tpu.memory_space<vmem>>, vector<1x16xf32>,
    %swap3A_450 = vector.shape_cast %swap3A_449 : vector<1x16xf32> to vector<16xf32>
    %swap3A_451 = vector.shape_cast %broadcast_in_dim3A_3 : vector<16xf32> to vector<1x16xf32>
    tpu.vector_store %arg9[%swap3A_447, %swap3A_448], %swap3A_451 {strides = array<i32>} : memref<2x128xf32, #tpu.memory_space<vmem>>, vector<1x16xf32>,
    %get3A_452 = arith.constant 240 : index
    %get3A_453 = tpu.vector_load %arg6[%get3A_452] {strides = array<i32>} : memref<256xi32, #tpu.memory_space<vmem>>, vector<16xi32>,
    %get3A_454 = vector.shape_cast %get3A_453 : vector<16xi32> to vector<16xi32>
    %get3A_455 = arith.constant 240 : index
    %get3A_456 = tpu.vector_load %arg7[%get3A_455] {strides = array<i32>} : memref<256xi32, #tpu.memory_space<vmem>>, vector<16xi32>,
    %get3A_457 = vector.shape_cast %get3A_456 : vector<16xi32> to vector<16xi32>
    %add3A_458 = arith.constant 240 : i32
    %add3A_459 = arith.addi %mul3A_2, %add3A_458 : i32
    %add3A_460 = vector.broadcast %add3A_459 : i32 to vector<16xi32>
    %add3A_461 = arith.addi %add3A_460, %iota3A : vector<16xi32>
    %mul3A_462 = arith.constant 4096 : i32
    %mul3A_463 = vector.broadcast %mul3A_462 : i32 to vector<16xi32>
    %mul3A_464 = arith.muli %add3A_461, %mul3A_463 : vector<16xi32>
    %mul3A_465 = arith.constant 64 : i32
    %mul3A_466 = vector.broadcast %mul3A_465 : i32 to vector<16xi32>
    %mul3A_467 = arith.muli %get3A_454, %mul3A_466 : vector<16xi32>
    %add3A_468 = arith.addi %mul3A_464, %mul3A_467 : vector<16xi32>
    %add3A_469 = arith.addi %add3A_468, %get3A_457 : vector<16xi32>
    %swap3A_470 = arith.constant 1 : i32
    %swap3A_471 = arith.index_cast %swap3A_470 : i32 to index
    %swap3A_472 = arith.constant 112 : index
    %swap3A_473 = tpu.vector_load %arg8[%swap3A_471, %swap3A_472] {strides = array<i32>} : memref<2x128xi32, #tpu.memory_space<vmem>>, vector<1x16xi32>,
    %swap3A_474 = vector.shape_cast %swap3A_473 : vector<1x16xi32> to vector<16xi32>
    %swap3A_475 = vector.shape_cast %add3A_469 : vector<16xi32> to vector<1x16xi32>
    tpu.vector_store %arg8[%swap3A_471, %swap3A_472], %swap3A_475 {strides = array<i32>} : memref<2x128xi32, #tpu.memory_space<vmem>>, vector<1x16xi32>,
    %swap3A_476 = arith.constant 1 : i32
    %swap3A_477 = arith.index_cast %swap3A_476 : i32 to index
    %swap3A_478 = arith.constant 112 : index
    %swap3A_479 = tpu.vector_load %arg9[%swap3A_477, %swap3A_478] {strides = array<i32>} : memref<2x128xf32, #tpu.memory_space<vmem>>, vector<1x16xf32>,
    %swap3A_480 = vector.shape_cast %swap3A_479 : vector<1x16xf32> to vector<16xf32>
    %swap3A_481 = vector.shape_cast %broadcast_in_dim3A_3 : vector<16xf32> to vector<1x16xf32>
    tpu.vector_store %arg9[%swap3A_477, %swap3A_478], %swap3A_481 {strides = array<i32>} : memref<2x128xf32, #tpu.memory_space<vmem>>, vector<1x16xf32>,
    %run_scoped3A = arith.constant 0 : i32
    %run_scoped3A_482 = arith.constant 0 : i32
    "tpu.region"() ({
      %run_scoped3A_485 = tpu.sem_alloc : memref<!tpu.dma_semaphore, #tpu.memory_space<semaphore_mem>>
      %dma_start3A = arith.constant 0 : i32
      %dma_start3A_486 = tpu.memref_slice %arg9[%run_scoped3A, %dma_start3A] : memref<2x128xf32, #tpu.memory_space<vmem>> -> memref<1x128xf32, #tpu.memory_space<vmem>>
      %dma_start3A_487 = tpu.memref_squeeze %dma_start3A_486 : memref<1x128xf32, #tpu.memory_space<vmem>> -> memref<128xf32, #tpu.memory_space<vmem>>
      %dma_start3A_488 = arith.constant 0 : i32
      %dma_start3A_489 = tpu.memref_slice %arg8[%run_scoped3A_482, %dma_start3A_488] : memref<2x128xi32, #tpu.memory_space<vmem>> -> memref<1x128xi32, #tpu.memory_space<vmem>>
      %dma_start3A_490 = tpu.memref_squeeze %dma_start3A_489 : memref<1x128xi32, #tpu.memory_space<vmem>> -> memref<128xi32, #tpu.memory_space<vmem>>
      %dma_start3A_491 = arith.constant 0 : i32
      %dma_start3A_492 = tpu.memref_slice %arg2[%dma_start3A_491] : memref<33554432xf32, #tpu.memory_space<hbm>> -> memref<33554432xf32, #tpu.memory_space<hbm>>
      tpu.enqueue_indirect_dma source(%dma_start3A_487 : memref<128xf32, #tpu.memory_space<vmem>>) target(%dma_start3A_492 : memref<33554432xf32, #tpu.memory_space<hbm>>) offsets(%dma_start3A_490 : memref<128xi32, #tpu.memory_space<vmem>>) semaphore(%run_scoped3A_485 : memref<!tpu.dma_semaphore, #tpu.memory_space<semaphore_mem>>)
      %dma_wait3A = arith.constant 0 : i32
      %dma_wait3A_493 = tpu.memref_slice %arg9[%run_scoped3A, %dma_wait3A] : memref<2x128xf32, #tpu.memory_space<vmem>> -> memref<1x128xf32, #tpu.memory_space<vmem>>
      %dma_wait3A_494 = tpu.memref_squeeze %dma_wait3A_493 : memref<1x128xf32, #tpu.memory_space<vmem>> -> memref<128xf32, #tpu.memory_space<vmem>>
      %dma_wait3A_495 = arith.constant 0 : i32
      %dma_wait3A_496 = tpu.memref_slice %arg8[%run_scoped3A_482, %dma_wait3A_495] : memref<2x128xi32, #tpu.memory_space<vmem>> -> memref<1x128xi32, #tpu.memory_space<vmem>>
      %dma_wait3A_497 = tpu.memref_squeeze %dma_wait3A_496 : memref<1x128xi32, #tpu.memory_space<vmem>> -> memref<128xi32, #tpu.memory_space<vmem>>
      %dma_wait3A_498 = arith.constant 0 : i32
      %dma_wait3A_499 = tpu.memref_slice %arg2[%dma_wait3A_498] : memref<33554432xf32, #tpu.memory_space<hbm>> -> memref<33554432xf32, #tpu.memory_space<hbm>>
      tpu.wait_indirect_dma semaphore(%run_scoped3A_485 : memref<!tpu.dma_semaphore, #tpu.memory_space<semaphore_mem>>) src(%dma_wait3A_494 : memref<128xf32, #tpu.memory_space<vmem>>) dst(%dma_wait3A_499 : memref<33554432xf32, #tpu.memory_space<hbm>>)
      tpu.yield
    }) : () -> ()
    %run_scoped3A_483 = arith.constant 1 : i32
    %run_scoped3A_484 = arith.constant 1 : i32
    "tpu.region"() ({
      %run_scoped3A_485 = tpu.sem_alloc : memref<!tpu.dma_semaphore, #tpu.memory_space<semaphore_mem>>
      %dma_start3A = arith.constant 0 : i32
      %dma_start3A_486 = tpu.memref_slice %arg9[%run_scoped3A_483, %dma_start3A] : memref<2x128xf32, #tpu.memory_space<vmem>> -> memref<1x128xf32, #tpu.memory_space<vmem>>
      %dma_start3A_487 = tpu.memref_squeeze %dma_start3A_486 : memref<1x128xf32, #tpu.memory_space<vmem>> -> memref<128xf32, #tpu.memory_space<vmem>>
      %dma_start3A_488 = arith.constant 0 : i32
      %dma_start3A_489 = tpu.memref_slice %arg8[%run_scoped3A_484, %dma_start3A_488] : memref<2x128xi32, #tpu.memory_space<vmem>> -> memref<1x128xi32, #tpu.memory_space<vmem>>
      %dma_start3A_490 = tpu.memref_squeeze %dma_start3A_489 : memref<1x128xi32, #tpu.memory_space<vmem>> -> memref<128xi32, #tpu.memory_space<vmem>>
      %dma_start3A_491 = arith.constant 0 : i32
      %dma_start3A_492 = tpu.memref_slice %arg2[%dma_start3A_491] : memref<33554432xf32, #tpu.memory_space<hbm>> -> memref<33554432xf32, #tpu.memory_space<hbm>>
      tpu.enqueue_indirect_dma source(%dma_start3A_487 : memref<128xf32, #tpu.memory_space<vmem>>) target(%dma_start3A_492 : memref<33554432xf32, #tpu.memory_space<hbm>>) offsets(%dma_start3A_490 : memref<128xi32, #tpu.memory_space<vmem>>) semaphore(%run_scoped3A_485 : memref<!tpu.dma_semaphore, #tpu.memory_space<semaphore_mem>>)
      %dma_wait3A = arith.constant 0 : i32
      %dma_wait3A_493 = tpu.memref_slice %arg9[%run_scoped3A_483, %dma_wait3A] : memref<2x128xf32, #tpu.memory_space<vmem>> -> memref<1x128xf32, #tpu.memory_space<vmem>>
      %dma_wait3A_494 = tpu.memref_squeeze %dma_wait3A_493 : memref<1x128xf32, #tpu.memory_space<vmem>> -> memref<128xf32, #tpu.memory_space<vmem>>
      %dma_wait3A_495 = arith.constant 0 : i32
      %dma_wait3A_496 = tpu.memref_slice %arg8[%run_scoped3A_484, %dma_wait3A_495] : memref<2x128xi32, #tpu.memory_space<vmem>> -> memref<1x128xi32, #tpu.memory_space<vmem>>
      %dma_wait3A_497 = tpu.memref_squeeze %dma_wait3A_496 : memref<1x128xi32, #tpu.memory_space<vmem>> -> memref<128xi32, #tpu.memory_space<vmem>>
      %dma_wait3A_498 = arith.constant 0 : i32
      %dma_wait3A_499 = tpu.memref_slice %arg2[%dma_wait3A_498] : memref<33554432xf32, #tpu.memory_space<hbm>> -> memref<33554432xf32, #tpu.memory_space<hbm>>
      tpu.wait_indirect_dma semaphore(%run_scoped3A_485 : memref<!tpu.dma_semaphore, #tpu.memory_space<semaphore_mem>>) src(%dma_wait3A_494 : memref<128xf32, #tpu.memory_space<vmem>>) dst(%dma_wait3A_499 : memref<33554432xf32, #tpu.memory_space<hbm>>)
      tpu.yield
    }) : () -> ()
    return
  }
}

module attributes {stable_mosaic.version = 14 : i64} {
  func.func @_fill_body(%arg0: i32, %arg1: memref<8192x4096xf32, #tpu.memory_space<any>>, %arg2: memref<256x4096xf32, #tpu.memory_space<vmem>>, %arg3: memref<8x!tpu.dma_semaphore, #tpu.memory_space<semaphore_mem>>) attributes {dimension_semantics = [#tpu.dimension_semantics<arbitrary>], iteration_bounds = array<i64: 1>, scalar_prefetch = 0 : i64, scratch_operands = 2 : i64, tpu.core_type = #tpu.core_type<tc>, window_params = [{}]} {
    %iota3A = tpu.iota {dimensions = array<i32: 1>} : vector<256x4096xi32>
    %eq3A = arith.constant 0 : i32
    %eq3A_0 = vector.broadcast %eq3A : i32 to vector<256x4096xi32>
    %eq3A_1 = arith.cmpi eq, %iota3A, %eq3A_0 : vector<256x4096xi32>
    %jit3A = arith.constant 1.000000e+00 : f32
    %jit3A_2 = arith.constant 0.000000e+00 : f32
    %broadcast_in_dim3A = vector.broadcast %jit3A : f32 to vector<256x4096xf32>
    %broadcast_in_dim3A_3 = vector.broadcast %jit3A_2 : f32 to vector<256x4096xf32>
    %select_n3A = arith.select %eq3A_1, %broadcast_in_dim3A, %broadcast_in_dim3A_3 : vector<256x4096xi1>, vector<256x4096xf32>
    %swap3A = arith.constant 0 : index
    %swap3A_4 = arith.constant 0 : index
    %swap3A_5 = vector.load %arg2[%swap3A, %swap3A_4] : memref<256x4096xf32, #tpu.memory_space<vmem>>, vector<256x4096xf32>
    tpu.vector_store %arg2[%swap3A, %swap3A_4], %select_n3A {strides = array<i32>} : memref<256x4096xf32, #tpu.memory_space<vmem>>, vector<256x4096xf32>,
    %dma_start3A = arith.constant 0 : i32
    %dma_start3A_6 = tpu.memref_slice %arg3[%dma_start3A] : memref<8x!tpu.dma_semaphore, #tpu.memory_space<semaphore_mem>> -> memref<1x!tpu.dma_semaphore, #tpu.memory_space<semaphore_mem>>
    %dma_start3A_7 = tpu.memref_squeeze %dma_start3A_6 : memref<1x!tpu.dma_semaphore, #tpu.memory_space<semaphore_mem>> -> memref<!tpu.dma_semaphore, #tpu.memory_space<semaphore_mem>>
    %dma_start3A_8 = arith.constant 0 : i32
    %dma_start3A_9 = arith.constant 0 : i32
    %dma_start3A_10 = tpu.memref_slice %arg1[%dma_start3A_8, %dma_start3A_9] : memref<8192x4096xf32, #tpu.memory_space<any>> -> memref<256x4096xf32, #tpu.memory_space<any>>
    tpu.enqueue_dma source(%arg2 : memref<256x4096xf32, #tpu.memory_space<vmem>>) target(%dma_start3A_10 : memref<256x4096xf32, #tpu.memory_space<any>>) target_semaphore(%dma_start3A_7 : memref<!tpu.dma_semaphore, #tpu.memory_space<semaphore_mem>>)
    %dma_start3A_11 = arith.constant 1 : i32
    %dma_start3A_12 = tpu.memref_slice %arg3[%dma_start3A_11] : memref<8x!tpu.dma_semaphore, #tpu.memory_space<semaphore_mem>> -> memref<1x!tpu.dma_semaphore, #tpu.memory_space<semaphore_mem>>
    %dma_start3A_13 = tpu.memref_squeeze %dma_start3A_12 : memref<1x!tpu.dma_semaphore, #tpu.memory_space<semaphore_mem>> -> memref<!tpu.dma_semaphore, #tpu.memory_space<semaphore_mem>>
    %dma_start3A_14 = arith.constant 256 : i32
    %dma_start3A_15 = arith.constant 0 : i32
    %dma_start3A_16 = tpu.memref_slice %arg1[%dma_start3A_14, %dma_start3A_15] : memref<8192x4096xf32, #tpu.memory_space<any>> -> memref<256x4096xf32, #tpu.memory_space<any>>
    tpu.enqueue_dma source(%arg2 : memref<256x4096xf32, #tpu.memory_space<vmem>>) target(%dma_start3A_16 : memref<256x4096xf32, #tpu.memory_space<any>>) target_semaphore(%dma_start3A_13 : memref<!tpu.dma_semaphore, #tpu.memory_space<semaphore_mem>>)
    %dma_start3A_17 = arith.constant 2 : i32
    %dma_start3A_18 = tpu.memref_slice %arg3[%dma_start3A_17] : memref<8x!tpu.dma_semaphore, #tpu.memory_space<semaphore_mem>> -> memref<1x!tpu.dma_semaphore, #tpu.memory_space<semaphore_mem>>
    %dma_start3A_19 = tpu.memref_squeeze %dma_start3A_18 : memref<1x!tpu.dma_semaphore, #tpu.memory_space<semaphore_mem>> -> memref<!tpu.dma_semaphore, #tpu.memory_space<semaphore_mem>>
    %dma_start3A_20 = arith.constant 512 : i32
    %dma_start3A_21 = arith.constant 0 : i32
    %dma_start3A_22 = tpu.memref_slice %arg1[%dma_start3A_20, %dma_start3A_21] : memref<8192x4096xf32, #tpu.memory_space<any>> -> memref<256x4096xf32, #tpu.memory_space<any>>
    tpu.enqueue_dma source(%arg2 : memref<256x4096xf32, #tpu.memory_space<vmem>>) target(%dma_start3A_22 : memref<256x4096xf32, #tpu.memory_space<any>>) target_semaphore(%dma_start3A_19 : memref<!tpu.dma_semaphore, #tpu.memory_space<semaphore_mem>>)
    %dma_start3A_23 = arith.constant 3 : i32
    %dma_start3A_24 = tpu.memref_slice %arg3[%dma_start3A_23] : memref<8x!tpu.dma_semaphore, #tpu.memory_space<semaphore_mem>> -> memref<1x!tpu.dma_semaphore, #tpu.memory_space<semaphore_mem>>
    %dma_start3A_25 = tpu.memref_squeeze %dma_start3A_24 : memref<1x!tpu.dma_semaphore, #tpu.memory_space<semaphore_mem>> -> memref<!tpu.dma_semaphore, #tpu.memory_space<semaphore_mem>>
    %dma_start3A_26 = arith.constant 768 : i32
    %dma_start3A_27 = arith.constant 0 : i32
    %dma_start3A_28 = tpu.memref_slice %arg1[%dma_start3A_26, %dma_start3A_27] : memref<8192x4096xf32, #tpu.memory_space<any>> -> memref<256x4096xf32, #tpu.memory_space<any>>
    tpu.enqueue_dma source(%arg2 : memref<256x4096xf32, #tpu.memory_space<vmem>>) target(%dma_start3A_28 : memref<256x4096xf32, #tpu.memory_space<any>>) target_semaphore(%dma_start3A_25 : memref<!tpu.dma_semaphore, #tpu.memory_space<semaphore_mem>>)
    %dma_start3A_29 = arith.constant 4 : i32
    %dma_start3A_30 = tpu.memref_slice %arg3[%dma_start3A_29] : memref<8x!tpu.dma_semaphore, #tpu.memory_space<semaphore_mem>> -> memref<1x!tpu.dma_semaphore, #tpu.memory_space<semaphore_mem>>
    %dma_start3A_31 = tpu.memref_squeeze %dma_start3A_30 : memref<1x!tpu.dma_semaphore, #tpu.memory_space<semaphore_mem>> -> memref<!tpu.dma_semaphore, #tpu.memory_space<semaphore_mem>>
    %dma_start3A_32 = arith.constant 1024 : i32
    %dma_start3A_33 = arith.constant 0 : i32
    %dma_start3A_34 = tpu.memref_slice %arg1[%dma_start3A_32, %dma_start3A_33] : memref<8192x4096xf32, #tpu.memory_space<any>> -> memref<256x4096xf32, #tpu.memory_space<any>>
    tpu.enqueue_dma source(%arg2 : memref<256x4096xf32, #tpu.memory_space<vmem>>) target(%dma_start3A_34 : memref<256x4096xf32, #tpu.memory_space<any>>) target_semaphore(%dma_start3A_31 : memref<!tpu.dma_semaphore, #tpu.memory_space<semaphore_mem>>)
    %dma_start3A_35 = arith.constant 5 : i32
    %dma_start3A_36 = tpu.memref_slice %arg3[%dma_start3A_35] : memref<8x!tpu.dma_semaphore, #tpu.memory_space<semaphore_mem>> -> memref<1x!tpu.dma_semaphore, #tpu.memory_space<semaphore_mem>>
    %dma_start3A_37 = tpu.memref_squeeze %dma_start3A_36 : memref<1x!tpu.dma_semaphore, #tpu.memory_space<semaphore_mem>> -> memref<!tpu.dma_semaphore, #tpu.memory_space<semaphore_mem>>
    %dma_start3A_38 = arith.constant 1280 : i32
    %dma_start3A_39 = arith.constant 0 : i32
    %dma_start3A_40 = tpu.memref_slice %arg1[%dma_start3A_38, %dma_start3A_39] : memref<8192x4096xf32, #tpu.memory_space<any>> -> memref<256x4096xf32, #tpu.memory_space<any>>
    tpu.enqueue_dma source(%arg2 : memref<256x4096xf32, #tpu.memory_space<vmem>>) target(%dma_start3A_40 : memref<256x4096xf32, #tpu.memory_space<any>>) target_semaphore(%dma_start3A_37 : memref<!tpu.dma_semaphore, #tpu.memory_space<semaphore_mem>>)
    %dma_start3A_41 = arith.constant 6 : i32
    %dma_start3A_42 = tpu.memref_slice %arg3[%dma_start3A_41] : memref<8x!tpu.dma_semaphore, #tpu.memory_space<semaphore_mem>> -> memref<1x!tpu.dma_semaphore, #tpu.memory_space<semaphore_mem>>
    %dma_start3A_43 = tpu.memref_squeeze %dma_start3A_42 : memref<1x!tpu.dma_semaphore, #tpu.memory_space<semaphore_mem>> -> memref<!tpu.dma_semaphore, #tpu.memory_space<semaphore_mem>>
    %dma_start3A_44 = arith.constant 1536 : i32
    %dma_start3A_45 = arith.constant 0 : i32
    %dma_start3A_46 = tpu.memref_slice %arg1[%dma_start3A_44, %dma_start3A_45] : memref<8192x4096xf32, #tpu.memory_space<any>> -> memref<256x4096xf32, #tpu.memory_space<any>>
    tpu.enqueue_dma source(%arg2 : memref<256x4096xf32, #tpu.memory_space<vmem>>) target(%dma_start3A_46 : memref<256x4096xf32, #tpu.memory_space<any>>) target_semaphore(%dma_start3A_43 : memref<!tpu.dma_semaphore, #tpu.memory_space<semaphore_mem>>)
    %dma_start3A_47 = arith.constant 7 : i32
    %dma_start3A_48 = tpu.memref_slice %arg3[%dma_start3A_47] : memref<8x!tpu.dma_semaphore, #tpu.memory_space<semaphore_mem>> -> memref<1x!tpu.dma_semaphore, #tpu.memory_space<semaphore_mem>>
    %dma_start3A_49 = tpu.memref_squeeze %dma_start3A_48 : memref<1x!tpu.dma_semaphore, #tpu.memory_space<semaphore_mem>> -> memref<!tpu.dma_semaphore, #tpu.memory_space<semaphore_mem>>
    %dma_start3A_50 = arith.constant 1792 : i32
    %dma_start3A_51 = arith.constant 0 : i32
    %dma_start3A_52 = tpu.memref_slice %arg1[%dma_start3A_50, %dma_start3A_51] : memref<8192x4096xf32, #tpu.memory_space<any>> -> memref<256x4096xf32, #tpu.memory_space<any>>
    tpu.enqueue_dma source(%arg2 : memref<256x4096xf32, #tpu.memory_space<vmem>>) target(%dma_start3A_52 : memref<256x4096xf32, #tpu.memory_space<any>>) target_semaphore(%dma_start3A_49 : memref<!tpu.dma_semaphore, #tpu.memory_space<semaphore_mem>>)
    %dma_wait3A = arith.constant 0 : i32
    %dma_wait3A_53 = tpu.memref_slice %arg3[%dma_wait3A] : memref<8x!tpu.dma_semaphore, #tpu.memory_space<semaphore_mem>> -> memref<1x!tpu.dma_semaphore, #tpu.memory_space<semaphore_mem>>
    %dma_wait3A_54 = tpu.memref_squeeze %dma_wait3A_53 : memref<1x!tpu.dma_semaphore, #tpu.memory_space<semaphore_mem>> -> memref<!tpu.dma_semaphore, #tpu.memory_space<semaphore_mem>>
    %dma_wait3A_55 = arith.constant 0 : i32
    %dma_wait3A_56 = arith.constant 0 : i32
    %dma_wait3A_57 = tpu.memref_slice %arg1[%dma_wait3A_55, %dma_wait3A_56] : memref<8192x4096xf32, #tpu.memory_space<any>> -> memref<256x4096xf32, #tpu.memory_space<any>>
    tpu.wait_dma2 semaphore(%dma_wait3A_54 : memref<!tpu.dma_semaphore, #tpu.memory_space<semaphore_mem>>) src(%arg2 : memref<256x4096xf32, #tpu.memory_space<vmem>>) dst(%dma_wait3A_57 : memref<256x4096xf32, #tpu.memory_space<any>>)
    %dma_start3A_58 = arith.constant 0 : i32
    %dma_start3A_59 = tpu.memref_slice %arg3[%dma_start3A_58] : memref<8x!tpu.dma_semaphore, #tpu.memory_space<semaphore_mem>> -> memref<1x!tpu.dma_semaphore, #tpu.memory_space<semaphore_mem>>
    %dma_start3A_60 = tpu.memref_squeeze %dma_start3A_59 : memref<1x!tpu.dma_semaphore, #tpu.memory_space<semaphore_mem>> -> memref<!tpu.dma_semaphore, #tpu.memory_space<semaphore_mem>>
    %dma_start3A_61 = arith.constant 2048 : i32
    %dma_start3A_62 = arith.constant 0 : i32
    %dma_start3A_63 = tpu.memref_slice %arg1[%dma_start3A_61, %dma_start3A_62] : memref<8192x4096xf32, #tpu.memory_space<any>> -> memref<256x4096xf32, #tpu.memory_space<any>>
    tpu.enqueue_dma source(%arg2 : memref<256x4096xf32, #tpu.memory_space<vmem>>) target(%dma_start3A_63 : memref<256x4096xf32, #tpu.memory_space<any>>) target_semaphore(%dma_start3A_60 : memref<!tpu.dma_semaphore, #tpu.memory_space<semaphore_mem>>)
    %dma_wait3A_64 = arith.constant 1 : i32
    %dma_wait3A_65 = tpu.memref_slice %arg3[%dma_wait3A_64] : memref<8x!tpu.dma_semaphore, #tpu.memory_space<semaphore_mem>> -> memref<1x!tpu.dma_semaphore, #tpu.memory_space<semaphore_mem>>
    %dma_wait3A_66 = tpu.memref_squeeze %dma_wait3A_65 : memref<1x!tpu.dma_semaphore, #tpu.memory_space<semaphore_mem>> -> memref<!tpu.dma_semaphore, #tpu.memory_space<semaphore_mem>>
    %dma_wait3A_67 = arith.constant 256 : i32
    %dma_wait3A_68 = arith.constant 0 : i32
    %dma_wait3A_69 = tpu.memref_slice %arg1[%dma_wait3A_67, %dma_wait3A_68] : memref<8192x4096xf32, #tpu.memory_space<any>> -> memref<256x4096xf32, #tpu.memory_space<any>>
    tpu.wait_dma2 semaphore(%dma_wait3A_66 : memref<!tpu.dma_semaphore, #tpu.memory_space<semaphore_mem>>) src(%arg2 : memref<256x4096xf32, #tpu.memory_space<vmem>>) dst(%dma_wait3A_69 : memref<256x4096xf32, #tpu.memory_space<any>>)
    %dma_start3A_70 = arith.constant 1 : i32
    %dma_start3A_71 = tpu.memref_slice %arg3[%dma_start3A_70] : memref<8x!tpu.dma_semaphore, #tpu.memory_space<semaphore_mem>> -> memref<1x!tpu.dma_semaphore, #tpu.memory_space<semaphore_mem>>
    %dma_start3A_72 = tpu.memref_squeeze %dma_start3A_71 : memref<1x!tpu.dma_semaphore, #tpu.memory_space<semaphore_mem>> -> memref<!tpu.dma_semaphore, #tpu.memory_space<semaphore_mem>>
    %dma_start3A_73 = arith.constant 2304 : i32
    %dma_start3A_74 = arith.constant 0 : i32
    %dma_start3A_75 = tpu.memref_slice %arg1[%dma_start3A_73, %dma_start3A_74] : memref<8192x4096xf32, #tpu.memory_space<any>> -> memref<256x4096xf32, #tpu.memory_space<any>>
    tpu.enqueue_dma source(%arg2 : memref<256x4096xf32, #tpu.memory_space<vmem>>) target(%dma_start3A_75 : memref<256x4096xf32, #tpu.memory_space<any>>) target_semaphore(%dma_start3A_72 : memref<!tpu.dma_semaphore, #tpu.memory_space<semaphore_mem>>)
    %dma_wait3A_76 = arith.constant 2 : i32
    %dma_wait3A_77 = tpu.memref_slice %arg3[%dma_wait3A_76] : memref<8x!tpu.dma_semaphore, #tpu.memory_space<semaphore_mem>> -> memref<1x!tpu.dma_semaphore, #tpu.memory_space<semaphore_mem>>
    %dma_wait3A_78 = tpu.memref_squeeze %dma_wait3A_77 : memref<1x!tpu.dma_semaphore, #tpu.memory_space<semaphore_mem>> -> memref<!tpu.dma_semaphore, #tpu.memory_space<semaphore_mem>>
    %dma_wait3A_79 = arith.constant 512 : i32
    %dma_wait3A_80 = arith.constant 0 : i32
    %dma_wait3A_81 = tpu.memref_slice %arg1[%dma_wait3A_79, %dma_wait3A_80] : memref<8192x4096xf32, #tpu.memory_space<any>> -> memref<256x4096xf32, #tpu.memory_space<any>>
    tpu.wait_dma2 semaphore(%dma_wait3A_78 : memref<!tpu.dma_semaphore, #tpu.memory_space<semaphore_mem>>) src(%arg2 : memref<256x4096xf32, #tpu.memory_space<vmem>>) dst(%dma_wait3A_81 : memref<256x4096xf32, #tpu.memory_space<any>>)
    %dma_start3A_82 = arith.constant 2 : i32
    %dma_start3A_83 = tpu.memref_slice %arg3[%dma_start3A_82] : memref<8x!tpu.dma_semaphore, #tpu.memory_space<semaphore_mem>> -> memref<1x!tpu.dma_semaphore, #tpu.memory_space<semaphore_mem>>
    %dma_start3A_84 = tpu.memref_squeeze %dma_start3A_83 : memref<1x!tpu.dma_semaphore, #tpu.memory_space<semaphore_mem>> -> memref<!tpu.dma_semaphore, #tpu.memory_space<semaphore_mem>>
    %dma_start3A_85 = arith.constant 2560 : i32
    %dma_start3A_86 = arith.constant 0 : i32
    %dma_start3A_87 = tpu.memref_slice %arg1[%dma_start3A_85, %dma_start3A_86] : memref<8192x4096xf32, #tpu.memory_space<any>> -> memref<256x4096xf32, #tpu.memory_space<any>>
    tpu.enqueue_dma source(%arg2 : memref<256x4096xf32, #tpu.memory_space<vmem>>) target(%dma_start3A_87 : memref<256x4096xf32, #tpu.memory_space<any>>) target_semaphore(%dma_start3A_84 : memref<!tpu.dma_semaphore, #tpu.memory_space<semaphore_mem>>)
    %dma_wait3A_88 = arith.constant 3 : i32
    %dma_wait3A_89 = tpu.memref_slice %arg3[%dma_wait3A_88] : memref<8x!tpu.dma_semaphore, #tpu.memory_space<semaphore_mem>> -> memref<1x!tpu.dma_semaphore, #tpu.memory_space<semaphore_mem>>
    %dma_wait3A_90 = tpu.memref_squeeze %dma_wait3A_89 : memref<1x!tpu.dma_semaphore, #tpu.memory_space<semaphore_mem>> -> memref<!tpu.dma_semaphore, #tpu.memory_space<semaphore_mem>>
    %dma_wait3A_91 = arith.constant 768 : i32
    %dma_wait3A_92 = arith.constant 0 : i32
    %dma_wait3A_93 = tpu.memref_slice %arg1[%dma_wait3A_91, %dma_wait3A_92] : memref<8192x4096xf32, #tpu.memory_space<any>> -> memref<256x4096xf32, #tpu.memory_space<any>>
    tpu.wait_dma2 semaphore(%dma_wait3A_90 : memref<!tpu.dma_semaphore, #tpu.memory_space<semaphore_mem>>) src(%arg2 : memref<256x4096xf32, #tpu.memory_space<vmem>>) dst(%dma_wait3A_93 : memref<256x4096xf32, #tpu.memory_space<any>>)
    %dma_start3A_94 = arith.constant 3 : i32
    %dma_start3A_95 = tpu.memref_slice %arg3[%dma_start3A_94] : memref<8x!tpu.dma_semaphore, #tpu.memory_space<semaphore_mem>> -> memref<1x!tpu.dma_semaphore, #tpu.memory_space<semaphore_mem>>
    %dma_start3A_96 = tpu.memref_squeeze %dma_start3A_95 : memref<1x!tpu.dma_semaphore, #tpu.memory_space<semaphore_mem>> -> memref<!tpu.dma_semaphore, #tpu.memory_space<semaphore_mem>>
    %dma_start3A_97 = arith.constant 2816 : i32
    %dma_start3A_98 = arith.constant 0 : i32
    %dma_start3A_99 = tpu.memref_slice %arg1[%dma_start3A_97, %dma_start3A_98] : memref<8192x4096xf32, #tpu.memory_space<any>> -> memref<256x4096xf32, #tpu.memory_space<any>>
    tpu.enqueue_dma source(%arg2 : memref<256x4096xf32, #tpu.memory_space<vmem>>) target(%dma_start3A_99 : memref<256x4096xf32, #tpu.memory_space<any>>) target_semaphore(%dma_start3A_96 : memref<!tpu.dma_semaphore, #tpu.memory_space<semaphore_mem>>)
    %dma_wait3A_100 = arith.constant 4 : i32
    %dma_wait3A_101 = tpu.memref_slice %arg3[%dma_wait3A_100] : memref<8x!tpu.dma_semaphore, #tpu.memory_space<semaphore_mem>> -> memref<1x!tpu.dma_semaphore, #tpu.memory_space<semaphore_mem>>
    %dma_wait3A_102 = tpu.memref_squeeze %dma_wait3A_101 : memref<1x!tpu.dma_semaphore, #tpu.memory_space<semaphore_mem>> -> memref<!tpu.dma_semaphore, #tpu.memory_space<semaphore_mem>>
    %dma_wait3A_103 = arith.constant 1024 : i32
    %dma_wait3A_104 = arith.constant 0 : i32
    %dma_wait3A_105 = tpu.memref_slice %arg1[%dma_wait3A_103, %dma_wait3A_104] : memref<8192x4096xf32, #tpu.memory_space<any>> -> memref<256x4096xf32, #tpu.memory_space<any>>
    tpu.wait_dma2 semaphore(%dma_wait3A_102 : memref<!tpu.dma_semaphore, #tpu.memory_space<semaphore_mem>>) src(%arg2 : memref<256x4096xf32, #tpu.memory_space<vmem>>) dst(%dma_wait3A_105 : memref<256x4096xf32, #tpu.memory_space<any>>)
    %dma_start3A_106 = arith.constant 4 : i32
    %dma_start3A_107 = tpu.memref_slice %arg3[%dma_start3A_106] : memref<8x!tpu.dma_semaphore, #tpu.memory_space<semaphore_mem>> -> memref<1x!tpu.dma_semaphore, #tpu.memory_space<semaphore_mem>>
    %dma_start3A_108 = tpu.memref_squeeze %dma_start3A_107 : memref<1x!tpu.dma_semaphore, #tpu.memory_space<semaphore_mem>> -> memref<!tpu.dma_semaphore, #tpu.memory_space<semaphore_mem>>
    %dma_start3A_109 = arith.constant 3072 : i32
    %dma_start3A_110 = arith.constant 0 : i32
    %dma_start3A_111 = tpu.memref_slice %arg1[%dma_start3A_109, %dma_start3A_110] : memref<8192x4096xf32, #tpu.memory_space<any>> -> memref<256x4096xf32, #tpu.memory_space<any>>
    tpu.enqueue_dma source(%arg2 : memref<256x4096xf32, #tpu.memory_space<vmem>>) target(%dma_start3A_111 : memref<256x4096xf32, #tpu.memory_space<any>>) target_semaphore(%dma_start3A_108 : memref<!tpu.dma_semaphore, #tpu.memory_space<semaphore_mem>>)
    %dma_wait3A_112 = arith.constant 5 : i32
    %dma_wait3A_113 = tpu.memref_slice %arg3[%dma_wait3A_112] : memref<8x!tpu.dma_semaphore, #tpu.memory_space<semaphore_mem>> -> memref<1x!tpu.dma_semaphore, #tpu.memory_space<semaphore_mem>>
    %dma_wait3A_114 = tpu.memref_squeeze %dma_wait3A_113 : memref<1x!tpu.dma_semaphore, #tpu.memory_space<semaphore_mem>> -> memref<!tpu.dma_semaphore, #tpu.memory_space<semaphore_mem>>
    %dma_wait3A_115 = arith.constant 1280 : i32
    %dma_wait3A_116 = arith.constant 0 : i32
    %dma_wait3A_117 = tpu.memref_slice %arg1[%dma_wait3A_115, %dma_wait3A_116] : memref<8192x4096xf32, #tpu.memory_space<any>> -> memref<256x4096xf32, #tpu.memory_space<any>>
    tpu.wait_dma2 semaphore(%dma_wait3A_114 : memref<!tpu.dma_semaphore, #tpu.memory_space<semaphore_mem>>) src(%arg2 : memref<256x4096xf32, #tpu.memory_space<vmem>>) dst(%dma_wait3A_117 : memref<256x4096xf32, #tpu.memory_space<any>>)
    %dma_start3A_118 = arith.constant 5 : i32
    %dma_start3A_119 = tpu.memref_slice %arg3[%dma_start3A_118] : memref<8x!tpu.dma_semaphore, #tpu.memory_space<semaphore_mem>> -> memref<1x!tpu.dma_semaphore, #tpu.memory_space<semaphore_mem>>
    %dma_start3A_120 = tpu.memref_squeeze %dma_start3A_119 : memref<1x!tpu.dma_semaphore, #tpu.memory_space<semaphore_mem>> -> memref<!tpu.dma_semaphore, #tpu.memory_space<semaphore_mem>>
    %dma_start3A_121 = arith.constant 3328 : i32
    %dma_start3A_122 = arith.constant 0 : i32
    %dma_start3A_123 = tpu.memref_slice %arg1[%dma_start3A_121, %dma_start3A_122] : memref<8192x4096xf32, #tpu.memory_space<any>> -> memref<256x4096xf32, #tpu.memory_space<any>>
    tpu.enqueue_dma source(%arg2 : memref<256x4096xf32, #tpu.memory_space<vmem>>) target(%dma_start3A_123 : memref<256x4096xf32, #tpu.memory_space<any>>) target_semaphore(%dma_start3A_120 : memref<!tpu.dma_semaphore, #tpu.memory_space<semaphore_mem>>)
    %dma_wait3A_124 = arith.constant 6 : i32
    %dma_wait3A_125 = tpu.memref_slice %arg3[%dma_wait3A_124] : memref<8x!tpu.dma_semaphore, #tpu.memory_space<semaphore_mem>> -> memref<1x!tpu.dma_semaphore, #tpu.memory_space<semaphore_mem>>
    %dma_wait3A_126 = tpu.memref_squeeze %dma_wait3A_125 : memref<1x!tpu.dma_semaphore, #tpu.memory_space<semaphore_mem>> -> memref<!tpu.dma_semaphore, #tpu.memory_space<semaphore_mem>>
    %dma_wait3A_127 = arith.constant 1536 : i32
    %dma_wait3A_128 = arith.constant 0 : i32
    %dma_wait3A_129 = tpu.memref_slice %arg1[%dma_wait3A_127, %dma_wait3A_128] : memref<8192x4096xf32, #tpu.memory_space<any>> -> memref<256x4096xf32, #tpu.memory_space<any>>
    tpu.wait_dma2 semaphore(%dma_wait3A_126 : memref<!tpu.dma_semaphore, #tpu.memory_space<semaphore_mem>>) src(%arg2 : memref<256x4096xf32, #tpu.memory_space<vmem>>) dst(%dma_wait3A_129 : memref<256x4096xf32, #tpu.memory_space<any>>)
    %dma_start3A_130 = arith.constant 6 : i32
    %dma_start3A_131 = tpu.memref_slice %arg3[%dma_start3A_130] : memref<8x!tpu.dma_semaphore, #tpu.memory_space<semaphore_mem>> -> memref<1x!tpu.dma_semaphore, #tpu.memory_space<semaphore_mem>>
    %dma_start3A_132 = tpu.memref_squeeze %dma_start3A_131 : memref<1x!tpu.dma_semaphore, #tpu.memory_space<semaphore_mem>> -> memref<!tpu.dma_semaphore, #tpu.memory_space<semaphore_mem>>
    %dma_start3A_133 = arith.constant 3584 : i32
    %dma_start3A_134 = arith.constant 0 : i32
    %dma_start3A_135 = tpu.memref_slice %arg1[%dma_start3A_133, %dma_start3A_134] : memref<8192x4096xf32, #tpu.memory_space<any>> -> memref<256x4096xf32, #tpu.memory_space<any>>
    tpu.enqueue_dma source(%arg2 : memref<256x4096xf32, #tpu.memory_space<vmem>>) target(%dma_start3A_135 : memref<256x4096xf32, #tpu.memory_space<any>>) target_semaphore(%dma_start3A_132 : memref<!tpu.dma_semaphore, #tpu.memory_space<semaphore_mem>>)
    %dma_wait3A_136 = arith.constant 7 : i32
    %dma_wait3A_137 = tpu.memref_slice %arg3[%dma_wait3A_136] : memref<8x!tpu.dma_semaphore, #tpu.memory_space<semaphore_mem>> -> memref<1x!tpu.dma_semaphore, #tpu.memory_space<semaphore_mem>>
    %dma_wait3A_138 = tpu.memref_squeeze %dma_wait3A_137 : memref<1x!tpu.dma_semaphore, #tpu.memory_space<semaphore_mem>> -> memref<!tpu.dma_semaphore, #tpu.memory_space<semaphore_mem>>
    %dma_wait3A_139 = arith.constant 1792 : i32
    %dma_wait3A_140 = arith.constant 0 : i32
    %dma_wait3A_141 = tpu.memref_slice %arg1[%dma_wait3A_139, %dma_wait3A_140] : memref<8192x4096xf32, #tpu.memory_space<any>> -> memref<256x4096xf32, #tpu.memory_space<any>>
    tpu.wait_dma2 semaphore(%dma_wait3A_138 : memref<!tpu.dma_semaphore, #tpu.memory_space<semaphore_mem>>) src(%arg2 : memref<256x4096xf32, #tpu.memory_space<vmem>>) dst(%dma_wait3A_141 : memref<256x4096xf32, #tpu.memory_space<any>>)
    %dma_start3A_142 = arith.constant 7 : i32
    %dma_start3A_143 = tpu.memref_slice %arg3[%dma_start3A_142] : memref<8x!tpu.dma_semaphore, #tpu.memory_space<semaphore_mem>> -> memref<1x!tpu.dma_semaphore, #tpu.memory_space<semaphore_mem>>
    %dma_start3A_144 = tpu.memref_squeeze %dma_start3A_143 : memref<1x!tpu.dma_semaphore, #tpu.memory_space<semaphore_mem>> -> memref<!tpu.dma_semaphore, #tpu.memory_space<semaphore_mem>>
    %dma_start3A_145 = arith.constant 3840 : i32
    %dma_start3A_146 = arith.constant 0 : i32
    %dma_start3A_147 = tpu.memref_slice %arg1[%dma_start3A_145, %dma_start3A_146] : memref<8192x4096xf32, #tpu.memory_space<any>> -> memref<256x4096xf32, #tpu.memory_space<any>>
    tpu.enqueue_dma source(%arg2 : memref<256x4096xf32, #tpu.memory_space<vmem>>) target(%dma_start3A_147 : memref<256x4096xf32, #tpu.memory_space<any>>) target_semaphore(%dma_start3A_144 : memref<!tpu.dma_semaphore, #tpu.memory_space<semaphore_mem>>)
    %dma_wait3A_148 = arith.constant 0 : i32
    %dma_wait3A_149 = tpu.memref_slice %arg3[%dma_wait3A_148] : memref<8x!tpu.dma_semaphore, #tpu.memory_space<semaphore_mem>> -> memref<1x!tpu.dma_semaphore, #tpu.memory_space<semaphore_mem>>
    %dma_wait3A_150 = tpu.memref_squeeze %dma_wait3A_149 : memref<1x!tpu.dma_semaphore, #tpu.memory_space<semaphore_mem>> -> memref<!tpu.dma_semaphore, #tpu.memory_space<semaphore_mem>>
    %dma_wait3A_151 = arith.constant 2048 : i32
    %dma_wait3A_152 = arith.constant 0 : i32
    %dma_wait3A_153 = tpu.memref_slice %arg1[%dma_wait3A_151, %dma_wait3A_152] : memref<8192x4096xf32, #tpu.memory_space<any>> -> memref<256x4096xf32, #tpu.memory_space<any>>
    tpu.wait_dma2 semaphore(%dma_wait3A_150 : memref<!tpu.dma_semaphore, #tpu.memory_space<semaphore_mem>>) src(%arg2 : memref<256x4096xf32, #tpu.memory_space<vmem>>) dst(%dma_wait3A_153 : memref<256x4096xf32, #tpu.memory_space<any>>)
    %dma_start3A_154 = arith.constant 0 : i32
    %dma_start3A_155 = tpu.memref_slice %arg3[%dma_start3A_154] : memref<8x!tpu.dma_semaphore, #tpu.memory_space<semaphore_mem>> -> memref<1x!tpu.dma_semaphore, #tpu.memory_space<semaphore_mem>>
    %dma_start3A_156 = tpu.memref_squeeze %dma_start3A_155 : memref<1x!tpu.dma_semaphore, #tpu.memory_space<semaphore_mem>> -> memref<!tpu.dma_semaphore, #tpu.memory_space<semaphore_mem>>
    %dma_start3A_157 = arith.constant 4096 : i32
    %dma_start3A_158 = arith.constant 0 : i32
    %dma_start3A_159 = tpu.memref_slice %arg1[%dma_start3A_157, %dma_start3A_158] : memref<8192x4096xf32, #tpu.memory_space<any>> -> memref<256x4096xf32, #tpu.memory_space<any>>
    tpu.enqueue_dma source(%arg2 : memref<256x4096xf32, #tpu.memory_space<vmem>>) target(%dma_start3A_159 : memref<256x4096xf32, #tpu.memory_space<any>>) target_semaphore(%dma_start3A_156 : memref<!tpu.dma_semaphore, #tpu.memory_space<semaphore_mem>>)
    %dma_wait3A_160 = arith.constant 1 : i32
    %dma_wait3A_161 = tpu.memref_slice %arg3[%dma_wait3A_160] : memref<8x!tpu.dma_semaphore, #tpu.memory_space<semaphore_mem>> -> memref<1x!tpu.dma_semaphore, #tpu.memory_space<semaphore_mem>>
    %dma_wait3A_162 = tpu.memref_squeeze %dma_wait3A_161 : memref<1x!tpu.dma_semaphore, #tpu.memory_space<semaphore_mem>> -> memref<!tpu.dma_semaphore, #tpu.memory_space<semaphore_mem>>
    %dma_wait3A_163 = arith.constant 2304 : i32
    %dma_wait3A_164 = arith.constant 0 : i32
    %dma_wait3A_165 = tpu.memref_slice %arg1[%dma_wait3A_163, %dma_wait3A_164] : memref<8192x4096xf32, #tpu.memory_space<any>> -> memref<256x4096xf32, #tpu.memory_space<any>>
    tpu.wait_dma2 semaphore(%dma_wait3A_162 : memref<!tpu.dma_semaphore, #tpu.memory_space<semaphore_mem>>) src(%arg2 : memref<256x4096xf32, #tpu.memory_space<vmem>>) dst(%dma_wait3A_165 : memref<256x4096xf32, #tpu.memory_space<any>>)
    %dma_start3A_166 = arith.constant 1 : i32
    %dma_start3A_167 = tpu.memref_slice %arg3[%dma_start3A_166] : memref<8x!tpu.dma_semaphore, #tpu.memory_space<semaphore_mem>> -> memref<1x!tpu.dma_semaphore, #tpu.memory_space<semaphore_mem>>
    %dma_start3A_168 = tpu.memref_squeeze %dma_start3A_167 : memref<1x!tpu.dma_semaphore, #tpu.memory_space<semaphore_mem>> -> memref<!tpu.dma_semaphore, #tpu.memory_space<semaphore_mem>>
    %dma_start3A_169 = arith.constant 4352 : i32
    %dma_start3A_170 = arith.constant 0 : i32
    %dma_start3A_171 = tpu.memref_slice %arg1[%dma_start3A_169, %dma_start3A_170] : memref<8192x4096xf32, #tpu.memory_space<any>> -> memref<256x4096xf32, #tpu.memory_space<any>>
    tpu.enqueue_dma source(%arg2 : memref<256x4096xf32, #tpu.memory_space<vmem>>) target(%dma_start3A_171 : memref<256x4096xf32, #tpu.memory_space<any>>) target_semaphore(%dma_start3A_168 : memref<!tpu.dma_semaphore, #tpu.memory_space<semaphore_mem>>)
    %dma_wait3A_172 = arith.constant 2 : i32
    %dma_wait3A_173 = tpu.memref_slice %arg3[%dma_wait3A_172] : memref<8x!tpu.dma_semaphore, #tpu.memory_space<semaphore_mem>> -> memref<1x!tpu.dma_semaphore, #tpu.memory_space<semaphore_mem>>
    %dma_wait3A_174 = tpu.memref_squeeze %dma_wait3A_173 : memref<1x!tpu.dma_semaphore, #tpu.memory_space<semaphore_mem>> -> memref<!tpu.dma_semaphore, #tpu.memory_space<semaphore_mem>>
    %dma_wait3A_175 = arith.constant 2560 : i32
    %dma_wait3A_176 = arith.constant 0 : i32
    %dma_wait3A_177 = tpu.memref_slice %arg1[%dma_wait3A_175, %dma_wait3A_176] : memref<8192x4096xf32, #tpu.memory_space<any>> -> memref<256x4096xf32, #tpu.memory_space<any>>
    tpu.wait_dma2 semaphore(%dma_wait3A_174 : memref<!tpu.dma_semaphore, #tpu.memory_space<semaphore_mem>>) src(%arg2 : memref<256x4096xf32, #tpu.memory_space<vmem>>) dst(%dma_wait3A_177 : memref<256x4096xf32, #tpu.memory_space<any>>)
    %dma_start3A_178 = arith.constant 2 : i32
    %dma_start3A_179 = tpu.memref_slice %arg3[%dma_start3A_178] : memref<8x!tpu.dma_semaphore, #tpu.memory_space<semaphore_mem>> -> memref<1x!tpu.dma_semaphore, #tpu.memory_space<semaphore_mem>>
    %dma_start3A_180 = tpu.memref_squeeze %dma_start3A_179 : memref<1x!tpu.dma_semaphore, #tpu.memory_space<semaphore_mem>> -> memref<!tpu.dma_semaphore, #tpu.memory_space<semaphore_mem>>
    %dma_start3A_181 = arith.constant 4608 : i32
    %dma_start3A_182 = arith.constant 0 : i32
    %dma_start3A_183 = tpu.memref_slice %arg1[%dma_start3A_181, %dma_start3A_182] : memref<8192x4096xf32, #tpu.memory_space<any>> -> memref<256x4096xf32, #tpu.memory_space<any>>
    tpu.enqueue_dma source(%arg2 : memref<256x4096xf32, #tpu.memory_space<vmem>>) target(%dma_start3A_183 : memref<256x4096xf32, #tpu.memory_space<any>>) target_semaphore(%dma_start3A_180 : memref<!tpu.dma_semaphore, #tpu.memory_space<semaphore_mem>>)
    %dma_wait3A_184 = arith.constant 3 : i32
    %dma_wait3A_185 = tpu.memref_slice %arg3[%dma_wait3A_184] : memref<8x!tpu.dma_semaphore, #tpu.memory_space<semaphore_mem>> -> memref<1x!tpu.dma_semaphore, #tpu.memory_space<semaphore_mem>>
    %dma_wait3A_186 = tpu.memref_squeeze %dma_wait3A_185 : memref<1x!tpu.dma_semaphore, #tpu.memory_space<semaphore_mem>> -> memref<!tpu.dma_semaphore, #tpu.memory_space<semaphore_mem>>
    %dma_wait3A_187 = arith.constant 2816 : i32
    %dma_wait3A_188 = arith.constant 0 : i32
    %dma_wait3A_189 = tpu.memref_slice %arg1[%dma_wait3A_187, %dma_wait3A_188] : memref<8192x4096xf32, #tpu.memory_space<any>> -> memref<256x4096xf32, #tpu.memory_space<any>>
    tpu.wait_dma2 semaphore(%dma_wait3A_186 : memref<!tpu.dma_semaphore, #tpu.memory_space<semaphore_mem>>) src(%arg2 : memref<256x4096xf32, #tpu.memory_space<vmem>>) dst(%dma_wait3A_189 : memref<256x4096xf32, #tpu.memory_space<any>>)
    %dma_start3A_190 = arith.constant 3 : i32
    %dma_start3A_191 = tpu.memref_slice %arg3[%dma_start3A_190] : memref<8x!tpu.dma_semaphore, #tpu.memory_space<semaphore_mem>> -> memref<1x!tpu.dma_semaphore, #tpu.memory_space<semaphore_mem>>
    %dma_start3A_192 = tpu.memref_squeeze %dma_start3A_191 : memref<1x!tpu.dma_semaphore, #tpu.memory_space<semaphore_mem>> -> memref<!tpu.dma_semaphore, #tpu.memory_space<semaphore_mem>>
    %dma_start3A_193 = arith.constant 4864 : i32
    %dma_start3A_194 = arith.constant 0 : i32
    %dma_start3A_195 = tpu.memref_slice %arg1[%dma_start3A_193, %dma_start3A_194] : memref<8192x4096xf32, #tpu.memory_space<any>> -> memref<256x4096xf32, #tpu.memory_space<any>>
    tpu.enqueue_dma source(%arg2 : memref<256x4096xf32, #tpu.memory_space<vmem>>) target(%dma_start3A_195 : memref<256x4096xf32, #tpu.memory_space<any>>) target_semaphore(%dma_start3A_192 : memref<!tpu.dma_semaphore, #tpu.memory_space<semaphore_mem>>)
    %dma_wait3A_196 = arith.constant 4 : i32
    %dma_wait3A_197 = tpu.memref_slice %arg3[%dma_wait3A_196] : memref<8x!tpu.dma_semaphore, #tpu.memory_space<semaphore_mem>> -> memref<1x!tpu.dma_semaphore, #tpu.memory_space<semaphore_mem>>
    %dma_wait3A_198 = tpu.memref_squeeze %dma_wait3A_197 : memref<1x!tpu.dma_semaphore, #tpu.memory_space<semaphore_mem>> -> memref<!tpu.dma_semaphore, #tpu.memory_space<semaphore_mem>>
    %dma_wait3A_199 = arith.constant 3072 : i32
    %dma_wait3A_200 = arith.constant 0 : i32
    %dma_wait3A_201 = tpu.memref_slice %arg1[%dma_wait3A_199, %dma_wait3A_200] : memref<8192x4096xf32, #tpu.memory_space<any>> -> memref<256x4096xf32, #tpu.memory_space<any>>
    tpu.wait_dma2 semaphore(%dma_wait3A_198 : memref<!tpu.dma_semaphore, #tpu.memory_space<semaphore_mem>>) src(%arg2 : memref<256x4096xf32, #tpu.memory_space<vmem>>) dst(%dma_wait3A_201 : memref<256x4096xf32, #tpu.memory_space<any>>)
    %dma_start3A_202 = arith.constant 4 : i32
    %dma_start3A_203 = tpu.memref_slice %arg3[%dma_start3A_202] : memref<8x!tpu.dma_semaphore, #tpu.memory_space<semaphore_mem>> -> memref<1x!tpu.dma_semaphore, #tpu.memory_space<semaphore_mem>>
    %dma_start3A_204 = tpu.memref_squeeze %dma_start3A_203 : memref<1x!tpu.dma_semaphore, #tpu.memory_space<semaphore_mem>> -> memref<!tpu.dma_semaphore, #tpu.memory_space<semaphore_mem>>
    %dma_start3A_205 = arith.constant 5120 : i32
    %dma_start3A_206 = arith.constant 0 : i32
    %dma_start3A_207 = tpu.memref_slice %arg1[%dma_start3A_205, %dma_start3A_206] : memref<8192x4096xf32, #tpu.memory_space<any>> -> memref<256x4096xf32, #tpu.memory_space<any>>
    tpu.enqueue_dma source(%arg2 : memref<256x4096xf32, #tpu.memory_space<vmem>>) target(%dma_start3A_207 : memref<256x4096xf32, #tpu.memory_space<any>>) target_semaphore(%dma_start3A_204 : memref<!tpu.dma_semaphore, #tpu.memory_space<semaphore_mem>>)
    %dma_wait3A_208 = arith.constant 5 : i32
    %dma_wait3A_209 = tpu.memref_slice %arg3[%dma_wait3A_208] : memref<8x!tpu.dma_semaphore, #tpu.memory_space<semaphore_mem>> -> memref<1x!tpu.dma_semaphore, #tpu.memory_space<semaphore_mem>>
    %dma_wait3A_210 = tpu.memref_squeeze %dma_wait3A_209 : memref<1x!tpu.dma_semaphore, #tpu.memory_space<semaphore_mem>> -> memref<!tpu.dma_semaphore, #tpu.memory_space<semaphore_mem>>
    %dma_wait3A_211 = arith.constant 3328 : i32
    %dma_wait3A_212 = arith.constant 0 : i32
    %dma_wait3A_213 = tpu.memref_slice %arg1[%dma_wait3A_211, %dma_wait3A_212] : memref<8192x4096xf32, #tpu.memory_space<any>> -> memref<256x4096xf32, #tpu.memory_space<any>>
    tpu.wait_dma2 semaphore(%dma_wait3A_210 : memref<!tpu.dma_semaphore, #tpu.memory_space<semaphore_mem>>) src(%arg2 : memref<256x4096xf32, #tpu.memory_space<vmem>>) dst(%dma_wait3A_213 : memref<256x4096xf32, #tpu.memory_space<any>>)
    %dma_start3A_214 = arith.constant 5 : i32
    %dma_start3A_215 = tpu.memref_slice %arg3[%dma_start3A_214] : memref<8x!tpu.dma_semaphore, #tpu.memory_space<semaphore_mem>> -> memref<1x!tpu.dma_semaphore, #tpu.memory_space<semaphore_mem>>
    %dma_start3A_216 = tpu.memref_squeeze %dma_start3A_215 : memref<1x!tpu.dma_semaphore, #tpu.memory_space<semaphore_mem>> -> memref<!tpu.dma_semaphore, #tpu.memory_space<semaphore_mem>>
    %dma_start3A_217 = arith.constant 5376 : i32
    %dma_start3A_218 = arith.constant 0 : i32
    %dma_start3A_219 = tpu.memref_slice %arg1[%dma_start3A_217, %dma_start3A_218] : memref<8192x4096xf32, #tpu.memory_space<any>> -> memref<256x4096xf32, #tpu.memory_space<any>>
    tpu.enqueue_dma source(%arg2 : memref<256x4096xf32, #tpu.memory_space<vmem>>) target(%dma_start3A_219 : memref<256x4096xf32, #tpu.memory_space<any>>) target_semaphore(%dma_start3A_216 : memref<!tpu.dma_semaphore, #tpu.memory_space<semaphore_mem>>)
    %dma_wait3A_220 = arith.constant 6 : i32
    %dma_wait3A_221 = tpu.memref_slice %arg3[%dma_wait3A_220] : memref<8x!tpu.dma_semaphore, #tpu.memory_space<semaphore_mem>> -> memref<1x!tpu.dma_semaphore, #tpu.memory_space<semaphore_mem>>
    %dma_wait3A_222 = tpu.memref_squeeze %dma_wait3A_221 : memref<1x!tpu.dma_semaphore, #tpu.memory_space<semaphore_mem>> -> memref<!tpu.dma_semaphore, #tpu.memory_space<semaphore_mem>>
    %dma_wait3A_223 = arith.constant 3584 : i32
    %dma_wait3A_224 = arith.constant 0 : i32
    %dma_wait3A_225 = tpu.memref_slice %arg1[%dma_wait3A_223, %dma_wait3A_224] : memref<8192x4096xf32, #tpu.memory_space<any>> -> memref<256x4096xf32, #tpu.memory_space<any>>
    tpu.wait_dma2 semaphore(%dma_wait3A_222 : memref<!tpu.dma_semaphore, #tpu.memory_space<semaphore_mem>>) src(%arg2 : memref<256x4096xf32, #tpu.memory_space<vmem>>) dst(%dma_wait3A_225 : memref<256x4096xf32, #tpu.memory_space<any>>)
    %dma_start3A_226 = arith.constant 6 : i32
    %dma_start3A_227 = tpu.memref_slice %arg3[%dma_start3A_226] : memref<8x!tpu.dma_semaphore, #tpu.memory_space<semaphore_mem>> -> memref<1x!tpu.dma_semaphore, #tpu.memory_space<semaphore_mem>>
    %dma_start3A_228 = tpu.memref_squeeze %dma_start3A_227 : memref<1x!tpu.dma_semaphore, #tpu.memory_space<semaphore_mem>> -> memref<!tpu.dma_semaphore, #tpu.memory_space<semaphore_mem>>
    %dma_start3A_229 = arith.constant 5632 : i32
    %dma_start3A_230 = arith.constant 0 : i32
    %dma_start3A_231 = tpu.memref_slice %arg1[%dma_start3A_229, %dma_start3A_230] : memref<8192x4096xf32, #tpu.memory_space<any>> -> memref<256x4096xf32, #tpu.memory_space<any>>
    tpu.enqueue_dma source(%arg2 : memref<256x4096xf32, #tpu.memory_space<vmem>>) target(%dma_start3A_231 : memref<256x4096xf32, #tpu.memory_space<any>>) target_semaphore(%dma_start3A_228 : memref<!tpu.dma_semaphore, #tpu.memory_space<semaphore_mem>>)
    %dma_wait3A_232 = arith.constant 7 : i32
    %dma_wait3A_233 = tpu.memref_slice %arg3[%dma_wait3A_232] : memref<8x!tpu.dma_semaphore, #tpu.memory_space<semaphore_mem>> -> memref<1x!tpu.dma_semaphore, #tpu.memory_space<semaphore_mem>>
    %dma_wait3A_234 = tpu.memref_squeeze %dma_wait3A_233 : memref<1x!tpu.dma_semaphore, #tpu.memory_space<semaphore_mem>> -> memref<!tpu.dma_semaphore, #tpu.memory_space<semaphore_mem>>
    %dma_wait3A_235 = arith.constant 3840 : i32
    %dma_wait3A_236 = arith.constant 0 : i32
    %dma_wait3A_237 = tpu.memref_slice %arg1[%dma_wait3A_235, %dma_wait3A_236] : memref<8192x4096xf32, #tpu.memory_space<any>> -> memref<256x4096xf32, #tpu.memory_space<any>>
    tpu.wait_dma2 semaphore(%dma_wait3A_234 : memref<!tpu.dma_semaphore, #tpu.memory_space<semaphore_mem>>) src(%arg2 : memref<256x4096xf32, #tpu.memory_space<vmem>>) dst(%dma_wait3A_237 : memref<256x4096xf32, #tpu.memory_space<any>>)
    %dma_start3A_238 = arith.constant 7 : i32
    %dma_start3A_239 = tpu.memref_slice %arg3[%dma_start3A_238] : memref<8x!tpu.dma_semaphore, #tpu.memory_space<semaphore_mem>> -> memref<1x!tpu.dma_semaphore, #tpu.memory_space<semaphore_mem>>
    %dma_start3A_240 = tpu.memref_squeeze %dma_start3A_239 : memref<1x!tpu.dma_semaphore, #tpu.memory_space<semaphore_mem>> -> memref<!tpu.dma_semaphore, #tpu.memory_space<semaphore_mem>>
    %dma_start3A_241 = arith.constant 5888 : i32
    %dma_start3A_242 = arith.constant 0 : i32
    %dma_start3A_243 = tpu.memref_slice %arg1[%dma_start3A_241, %dma_start3A_242] : memref<8192x4096xf32, #tpu.memory_space<any>> -> memref<256x4096xf32, #tpu.memory_space<any>>
    tpu.enqueue_dma source(%arg2 : memref<256x4096xf32, #tpu.memory_space<vmem>>) target(%dma_start3A_243 : memref<256x4096xf32, #tpu.memory_space<any>>) target_semaphore(%dma_start3A_240 : memref<!tpu.dma_semaphore, #tpu.memory_space<semaphore_mem>>)
    %dma_wait3A_244 = arith.constant 0 : i32
    %dma_wait3A_245 = tpu.memref_slice %arg3[%dma_wait3A_244] : memref<8x!tpu.dma_semaphore, #tpu.memory_space<semaphore_mem>> -> memref<1x!tpu.dma_semaphore, #tpu.memory_space<semaphore_mem>>
    %dma_wait3A_246 = tpu.memref_squeeze %dma_wait3A_245 : memref<1x!tpu.dma_semaphore, #tpu.memory_space<semaphore_mem>> -> memref<!tpu.dma_semaphore, #tpu.memory_space<semaphore_mem>>
    %dma_wait3A_247 = arith.constant 4096 : i32
    %dma_wait3A_248 = arith.constant 0 : i32
    %dma_wait3A_249 = tpu.memref_slice %arg1[%dma_wait3A_247, %dma_wait3A_248] : memref<8192x4096xf32, #tpu.memory_space<any>> -> memref<256x4096xf32, #tpu.memory_space<any>>
    tpu.wait_dma2 semaphore(%dma_wait3A_246 : memref<!tpu.dma_semaphore, #tpu.memory_space<semaphore_mem>>) src(%arg2 : memref<256x4096xf32, #tpu.memory_space<vmem>>) dst(%dma_wait3A_249 : memref<256x4096xf32, #tpu.memory_space<any>>)
    %dma_start3A_250 = arith.constant 0 : i32
    %dma_start3A_251 = tpu.memref_slice %arg3[%dma_start3A_250] : memref<8x!tpu.dma_semaphore, #tpu.memory_space<semaphore_mem>> -> memref<1x!tpu.dma_semaphore, #tpu.memory_space<semaphore_mem>>
    %dma_start3A_252 = tpu.memref_squeeze %dma_start3A_251 : memref<1x!tpu.dma_semaphore, #tpu.memory_space<semaphore_mem>> -> memref<!tpu.dma_semaphore, #tpu.memory_space<semaphore_mem>>
    %dma_start3A_253 = arith.constant 6144 : i32
    %dma_start3A_254 = arith.constant 0 : i32
    %dma_start3A_255 = tpu.memref_slice %arg1[%dma_start3A_253, %dma_start3A_254] : memref<8192x4096xf32, #tpu.memory_space<any>> -> memref<256x4096xf32, #tpu.memory_space<any>>
    tpu.enqueue_dma source(%arg2 : memref<256x4096xf32, #tpu.memory_space<vmem>>) target(%dma_start3A_255 : memref<256x4096xf32, #tpu.memory_space<any>>) target_semaphore(%dma_start3A_252 : memref<!tpu.dma_semaphore, #tpu.memory_space<semaphore_mem>>)
    %dma_wait3A_256 = arith.constant 1 : i32
    %dma_wait3A_257 = tpu.memref_slice %arg3[%dma_wait3A_256] : memref<8x!tpu.dma_semaphore, #tpu.memory_space<semaphore_mem>> -> memref<1x!tpu.dma_semaphore, #tpu.memory_space<semaphore_mem>>
    %dma_wait3A_258 = tpu.memref_squeeze %dma_wait3A_257 : memref<1x!tpu.dma_semaphore, #tpu.memory_space<semaphore_mem>> -> memref<!tpu.dma_semaphore, #tpu.memory_space<semaphore_mem>>
    %dma_wait3A_259 = arith.constant 4352 : i32
    %dma_wait3A_260 = arith.constant 0 : i32
    %dma_wait3A_261 = tpu.memref_slice %arg1[%dma_wait3A_259, %dma_wait3A_260] : memref<8192x4096xf32, #tpu.memory_space<any>> -> memref<256x4096xf32, #tpu.memory_space<any>>
    tpu.wait_dma2 semaphore(%dma_wait3A_258 : memref<!tpu.dma_semaphore, #tpu.memory_space<semaphore_mem>>) src(%arg2 : memref<256x4096xf32, #tpu.memory_space<vmem>>) dst(%dma_wait3A_261 : memref<256x4096xf32, #tpu.memory_space<any>>)
    %dma_start3A_262 = arith.constant 1 : i32
    %dma_start3A_263 = tpu.memref_slice %arg3[%dma_start3A_262] : memref<8x!tpu.dma_semaphore, #tpu.memory_space<semaphore_mem>> -> memref<1x!tpu.dma_semaphore, #tpu.memory_space<semaphore_mem>>
    %dma_start3A_264 = tpu.memref_squeeze %dma_start3A_263 : memref<1x!tpu.dma_semaphore, #tpu.memory_space<semaphore_mem>> -> memref<!tpu.dma_semaphore, #tpu.memory_space<semaphore_mem>>
    %dma_start3A_265 = arith.constant 6400 : i32
    %dma_start3A_266 = arith.constant 0 : i32
    %dma_start3A_267 = tpu.memref_slice %arg1[%dma_start3A_265, %dma_start3A_266] : memref<8192x4096xf32, #tpu.memory_space<any>> -> memref<256x4096xf32, #tpu.memory_space<any>>
    tpu.enqueue_dma source(%arg2 : memref<256x4096xf32, #tpu.memory_space<vmem>>) target(%dma_start3A_267 : memref<256x4096xf32, #tpu.memory_space<any>>) target_semaphore(%dma_start3A_264 : memref<!tpu.dma_semaphore, #tpu.memory_space<semaphore_mem>>)
    %dma_wait3A_268 = arith.constant 2 : i32
    %dma_wait3A_269 = tpu.memref_slice %arg3[%dma_wait3A_268] : memref<8x!tpu.dma_semaphore, #tpu.memory_space<semaphore_mem>> -> memref<1x!tpu.dma_semaphore, #tpu.memory_space<semaphore_mem>>
    %dma_wait3A_270 = tpu.memref_squeeze %dma_wait3A_269 : memref<1x!tpu.dma_semaphore, #tpu.memory_space<semaphore_mem>> -> memref<!tpu.dma_semaphore, #tpu.memory_space<semaphore_mem>>
    %dma_wait3A_271 = arith.constant 4608 : i32
    %dma_wait3A_272 = arith.constant 0 : i32
    %dma_wait3A_273 = tpu.memref_slice %arg1[%dma_wait3A_271, %dma_wait3A_272] : memref<8192x4096xf32, #tpu.memory_space<any>> -> memref<256x4096xf32, #tpu.memory_space<any>>
    tpu.wait_dma2 semaphore(%dma_wait3A_270 : memref<!tpu.dma_semaphore, #tpu.memory_space<semaphore_mem>>) src(%arg2 : memref<256x4096xf32, #tpu.memory_space<vmem>>) dst(%dma_wait3A_273 : memref<256x4096xf32, #tpu.memory_space<any>>)
    %dma_start3A_274 = arith.constant 2 : i32
    %dma_start3A_275 = tpu.memref_slice %arg3[%dma_start3A_274] : memref<8x!tpu.dma_semaphore, #tpu.memory_space<semaphore_mem>> -> memref<1x!tpu.dma_semaphore, #tpu.memory_space<semaphore_mem>>
    %dma_start3A_276 = tpu.memref_squeeze %dma_start3A_275 : memref<1x!tpu.dma_semaphore, #tpu.memory_space<semaphore_mem>> -> memref<!tpu.dma_semaphore, #tpu.memory_space<semaphore_mem>>
    %dma_start3A_277 = arith.constant 6656 : i32
    %dma_start3A_278 = arith.constant 0 : i32
    %dma_start3A_279 = tpu.memref_slice %arg1[%dma_start3A_277, %dma_start3A_278] : memref<8192x4096xf32, #tpu.memory_space<any>> -> memref<256x4096xf32, #tpu.memory_space<any>>
    tpu.enqueue_dma source(%arg2 : memref<256x4096xf32, #tpu.memory_space<vmem>>) target(%dma_start3A_279 : memref<256x4096xf32, #tpu.memory_space<any>>) target_semaphore(%dma_start3A_276 : memref<!tpu.dma_semaphore, #tpu.memory_space<semaphore_mem>>)
    %dma_wait3A_280 = arith.constant 3 : i32
    %dma_wait3A_281 = tpu.memref_slice %arg3[%dma_wait3A_280] : memref<8x!tpu.dma_semaphore, #tpu.memory_space<semaphore_mem>> -> memref<1x!tpu.dma_semaphore, #tpu.memory_space<semaphore_mem>>
    %dma_wait3A_282 = tpu.memref_squeeze %dma_wait3A_281 : memref<1x!tpu.dma_semaphore, #tpu.memory_space<semaphore_mem>> -> memref<!tpu.dma_semaphore, #tpu.memory_space<semaphore_mem>>
    %dma_wait3A_283 = arith.constant 4864 : i32
    %dma_wait3A_284 = arith.constant 0 : i32
    %dma_wait3A_285 = tpu.memref_slice %arg1[%dma_wait3A_283, %dma_wait3A_284] : memref<8192x4096xf32, #tpu.memory_space<any>> -> memref<256x4096xf32, #tpu.memory_space<any>>
    tpu.wait_dma2 semaphore(%dma_wait3A_282 : memref<!tpu.dma_semaphore, #tpu.memory_space<semaphore_mem>>) src(%arg2 : memref<256x4096xf32, #tpu.memory_space<vmem>>) dst(%dma_wait3A_285 : memref<256x4096xf32, #tpu.memory_space<any>>)
    %dma_start3A_286 = arith.constant 3 : i32
    %dma_start3A_287 = tpu.memref_slice %arg3[%dma_start3A_286] : memref<8x!tpu.dma_semaphore, #tpu.memory_space<semaphore_mem>> -> memref<1x!tpu.dma_semaphore, #tpu.memory_space<semaphore_mem>>
    %dma_start3A_288 = tpu.memref_squeeze %dma_start3A_287 : memref<1x!tpu.dma_semaphore, #tpu.memory_space<semaphore_mem>> -> memref<!tpu.dma_semaphore, #tpu.memory_space<semaphore_mem>>
    %dma_start3A_289 = arith.constant 6912 : i32
    %dma_start3A_290 = arith.constant 0 : i32
    %dma_start3A_291 = tpu.memref_slice %arg1[%dma_start3A_289, %dma_start3A_290] : memref<8192x4096xf32, #tpu.memory_space<any>> -> memref<256x4096xf32, #tpu.memory_space<any>>
    tpu.enqueue_dma source(%arg2 : memref<256x4096xf32, #tpu.memory_space<vmem>>) target(%dma_start3A_291 : memref<256x4096xf32, #tpu.memory_space<any>>) target_semaphore(%dma_start3A_288 : memref<!tpu.dma_semaphore, #tpu.memory_space<semaphore_mem>>)
    %dma_wait3A_292 = arith.constant 4 : i32
    %dma_wait3A_293 = tpu.memref_slice %arg3[%dma_wait3A_292] : memref<8x!tpu.dma_semaphore, #tpu.memory_space<semaphore_mem>> -> memref<1x!tpu.dma_semaphore, #tpu.memory_space<semaphore_mem>>
    %dma_wait3A_294 = tpu.memref_squeeze %dma_wait3A_293 : memref<1x!tpu.dma_semaphore, #tpu.memory_space<semaphore_mem>> -> memref<!tpu.dma_semaphore, #tpu.memory_space<semaphore_mem>>
    %dma_wait3A_295 = arith.constant 5120 : i32
    %dma_wait3A_296 = arith.constant 0 : i32
    %dma_wait3A_297 = tpu.memref_slice %arg1[%dma_wait3A_295, %dma_wait3A_296] : memref<8192x4096xf32, #tpu.memory_space<any>> -> memref<256x4096xf32, #tpu.memory_space<any>>
    tpu.wait_dma2 semaphore(%dma_wait3A_294 : memref<!tpu.dma_semaphore, #tpu.memory_space<semaphore_mem>>) src(%arg2 : memref<256x4096xf32, #tpu.memory_space<vmem>>) dst(%dma_wait3A_297 : memref<256x4096xf32, #tpu.memory_space<any>>)
    %dma_start3A_298 = arith.constant 4 : i32
    %dma_start3A_299 = tpu.memref_slice %arg3[%dma_start3A_298] : memref<8x!tpu.dma_semaphore, #tpu.memory_space<semaphore_mem>> -> memref<1x!tpu.dma_semaphore, #tpu.memory_space<semaphore_mem>>
    %dma_start3A_300 = tpu.memref_squeeze %dma_start3A_299 : memref<1x!tpu.dma_semaphore, #tpu.memory_space<semaphore_mem>> -> memref<!tpu.dma_semaphore, #tpu.memory_space<semaphore_mem>>
    %dma_start3A_301 = arith.constant 7168 : i32
    %dma_start3A_302 = arith.constant 0 : i32
    %dma_start3A_303 = tpu.memref_slice %arg1[%dma_start3A_301, %dma_start3A_302] : memref<8192x4096xf32, #tpu.memory_space<any>> -> memref<256x4096xf32, #tpu.memory_space<any>>
    tpu.enqueue_dma source(%arg2 : memref<256x4096xf32, #tpu.memory_space<vmem>>) target(%dma_start3A_303 : memref<256x4096xf32, #tpu.memory_space<any>>) target_semaphore(%dma_start3A_300 : memref<!tpu.dma_semaphore, #tpu.memory_space<semaphore_mem>>)
    %dma_wait3A_304 = arith.constant 5 : i32
    %dma_wait3A_305 = tpu.memref_slice %arg3[%dma_wait3A_304] : memref<8x!tpu.dma_semaphore, #tpu.memory_space<semaphore_mem>> -> memref<1x!tpu.dma_semaphore, #tpu.memory_space<semaphore_mem>>
    %dma_wait3A_306 = tpu.memref_squeeze %dma_wait3A_305 : memref<1x!tpu.dma_semaphore, #tpu.memory_space<semaphore_mem>> -> memref<!tpu.dma_semaphore, #tpu.memory_space<semaphore_mem>>
    %dma_wait3A_307 = arith.constant 5376 : i32
    %dma_wait3A_308 = arith.constant 0 : i32
    %dma_wait3A_309 = tpu.memref_slice %arg1[%dma_wait3A_307, %dma_wait3A_308] : memref<8192x4096xf32, #tpu.memory_space<any>> -> memref<256x4096xf32, #tpu.memory_space<any>>
    tpu.wait_dma2 semaphore(%dma_wait3A_306 : memref<!tpu.dma_semaphore, #tpu.memory_space<semaphore_mem>>) src(%arg2 : memref<256x4096xf32, #tpu.memory_space<vmem>>) dst(%dma_wait3A_309 : memref<256x4096xf32, #tpu.memory_space<any>>)
    %dma_start3A_310 = arith.constant 5 : i32
    %dma_start3A_311 = tpu.memref_slice %arg3[%dma_start3A_310] : memref<8x!tpu.dma_semaphore, #tpu.memory_space<semaphore_mem>> -> memref<1x!tpu.dma_semaphore, #tpu.memory_space<semaphore_mem>>
    %dma_start3A_312 = tpu.memref_squeeze %dma_start3A_311 : memref<1x!tpu.dma_semaphore, #tpu.memory_space<semaphore_mem>> -> memref<!tpu.dma_semaphore, #tpu.memory_space<semaphore_mem>>
    %dma_start3A_313 = arith.constant 7424 : i32
    %dma_start3A_314 = arith.constant 0 : i32
    %dma_start3A_315 = tpu.memref_slice %arg1[%dma_start3A_313, %dma_start3A_314] : memref<8192x4096xf32, #tpu.memory_space<any>> -> memref<256x4096xf32, #tpu.memory_space<any>>
    tpu.enqueue_dma source(%arg2 : memref<256x4096xf32, #tpu.memory_space<vmem>>) target(%dma_start3A_315 : memref<256x4096xf32, #tpu.memory_space<any>>) target_semaphore(%dma_start3A_312 : memref<!tpu.dma_semaphore, #tpu.memory_space<semaphore_mem>>)
    %dma_wait3A_316 = arith.constant 6 : i32
    %dma_wait3A_317 = tpu.memref_slice %arg3[%dma_wait3A_316] : memref<8x!tpu.dma_semaphore, #tpu.memory_space<semaphore_mem>> -> memref<1x!tpu.dma_semaphore, #tpu.memory_space<semaphore_mem>>
    %dma_wait3A_318 = tpu.memref_squeeze %dma_wait3A_317 : memref<1x!tpu.dma_semaphore, #tpu.memory_space<semaphore_mem>> -> memref<!tpu.dma_semaphore, #tpu.memory_space<semaphore_mem>>
    %dma_wait3A_319 = arith.constant 5632 : i32
    %dma_wait3A_320 = arith.constant 0 : i32
    %dma_wait3A_321 = tpu.memref_slice %arg1[%dma_wait3A_319, %dma_wait3A_320] : memref<8192x4096xf32, #tpu.memory_space<any>> -> memref<256x4096xf32, #tpu.memory_space<any>>
    tpu.wait_dma2 semaphore(%dma_wait3A_318 : memref<!tpu.dma_semaphore, #tpu.memory_space<semaphore_mem>>) src(%arg2 : memref<256x4096xf32, #tpu.memory_space<vmem>>) dst(%dma_wait3A_321 : memref<256x4096xf32, #tpu.memory_space<any>>)
    %dma_start3A_322 = arith.constant 6 : i32
    %dma_start3A_323 = tpu.memref_slice %arg3[%dma_start3A_322] : memref<8x!tpu.dma_semaphore, #tpu.memory_space<semaphore_mem>> -> memref<1x!tpu.dma_semaphore, #tpu.memory_space<semaphore_mem>>
    %dma_start3A_324 = tpu.memref_squeeze %dma_start3A_323 : memref<1x!tpu.dma_semaphore, #tpu.memory_space<semaphore_mem>> -> memref<!tpu.dma_semaphore, #tpu.memory_space<semaphore_mem>>
    %dma_start3A_325 = arith.constant 7680 : i32
    %dma_start3A_326 = arith.constant 0 : i32
    %dma_start3A_327 = tpu.memref_slice %arg1[%dma_start3A_325, %dma_start3A_326] : memref<8192x4096xf32, #tpu.memory_space<any>> -> memref<256x4096xf32, #tpu.memory_space<any>>
    tpu.enqueue_dma source(%arg2 : memref<256x4096xf32, #tpu.memory_space<vmem>>) target(%dma_start3A_327 : memref<256x4096xf32, #tpu.memory_space<any>>) target_semaphore(%dma_start3A_324 : memref<!tpu.dma_semaphore, #tpu.memory_space<semaphore_mem>>)
    %dma_wait3A_328 = arith.constant 7 : i32
    %dma_wait3A_329 = tpu.memref_slice %arg3[%dma_wait3A_328] : memref<8x!tpu.dma_semaphore, #tpu.memory_space<semaphore_mem>> -> memref<1x!tpu.dma_semaphore, #tpu.memory_space<semaphore_mem>>
    %dma_wait3A_330 = tpu.memref_squeeze %dma_wait3A_329 : memref<1x!tpu.dma_semaphore, #tpu.memory_space<semaphore_mem>> -> memref<!tpu.dma_semaphore, #tpu.memory_space<semaphore_mem>>
    %dma_wait3A_331 = arith.constant 5888 : i32
    %dma_wait3A_332 = arith.constant 0 : i32
    %dma_wait3A_333 = tpu.memref_slice %arg1[%dma_wait3A_331, %dma_wait3A_332] : memref<8192x4096xf32, #tpu.memory_space<any>> -> memref<256x4096xf32, #tpu.memory_space<any>>
    tpu.wait_dma2 semaphore(%dma_wait3A_330 : memref<!tpu.dma_semaphore, #tpu.memory_space<semaphore_mem>>) src(%arg2 : memref<256x4096xf32, #tpu.memory_space<vmem>>) dst(%dma_wait3A_333 : memref<256x4096xf32, #tpu.memory_space<any>>)
    %dma_start3A_334 = arith.constant 7 : i32
    %dma_start3A_335 = tpu.memref_slice %arg3[%dma_start3A_334] : memref<8x!tpu.dma_semaphore, #tpu.memory_space<semaphore_mem>> -> memref<1x!tpu.dma_semaphore, #tpu.memory_space<semaphore_mem>>
    %dma_start3A_336 = tpu.memref_squeeze %dma_start3A_335 : memref<1x!tpu.dma_semaphore, #tpu.memory_space<semaphore_mem>> -> memref<!tpu.dma_semaphore, #tpu.memory_space<semaphore_mem>>
    %dma_start3A_337 = arith.constant 7936 : i32
    %dma_start3A_338 = arith.constant 0 : i32
    %dma_start3A_339 = tpu.memref_slice %arg1[%dma_start3A_337, %dma_start3A_338] : memref<8192x4096xf32, #tpu.memory_space<any>> -> memref<256x4096xf32, #tpu.memory_space<any>>
    tpu.enqueue_dma source(%arg2 : memref<256x4096xf32, #tpu.memory_space<vmem>>) target(%dma_start3A_339 : memref<256x4096xf32, #tpu.memory_space<any>>) target_semaphore(%dma_start3A_336 : memref<!tpu.dma_semaphore, #tpu.memory_space<semaphore_mem>>)
    %dma_wait3A_340 = arith.constant 0 : i32
    %dma_wait3A_341 = tpu.memref_slice %arg3[%dma_wait3A_340] : memref<8x!tpu.dma_semaphore, #tpu.memory_space<semaphore_mem>> -> memref<1x!tpu.dma_semaphore, #tpu.memory_space<semaphore_mem>>
    %dma_wait3A_342 = tpu.memref_squeeze %dma_wait3A_341 : memref<1x!tpu.dma_semaphore, #tpu.memory_space<semaphore_mem>> -> memref<!tpu.dma_semaphore, #tpu.memory_space<semaphore_mem>>
    %dma_wait3A_343 = arith.constant 6144 : i32
    %dma_wait3A_344 = arith.constant 0 : i32
    %dma_wait3A_345 = tpu.memref_slice %arg1[%dma_wait3A_343, %dma_wait3A_344] : memref<8192x4096xf32, #tpu.memory_space<any>> -> memref<256x4096xf32, #tpu.memory_space<any>>
    tpu.wait_dma2 semaphore(%dma_wait3A_342 : memref<!tpu.dma_semaphore, #tpu.memory_space<semaphore_mem>>) src(%arg2 : memref<256x4096xf32, #tpu.memory_space<vmem>>) dst(%dma_wait3A_345 : memref<256x4096xf32, #tpu.memory_space<any>>)
    %dma_wait3A_346 = arith.constant 1 : i32
    %dma_wait3A_347 = tpu.memref_slice %arg3[%dma_wait3A_346] : memref<8x!tpu.dma_semaphore, #tpu.memory_space<semaphore_mem>> -> memref<1x!tpu.dma_semaphore, #tpu.memory_space<semaphore_mem>>
    %dma_wait3A_348 = tpu.memref_squeeze %dma_wait3A_347 : memref<1x!tpu.dma_semaphore, #tpu.memory_space<semaphore_mem>> -> memref<!tpu.dma_semaphore, #tpu.memory_space<semaphore_mem>>
    %dma_wait3A_349 = arith.constant 6400 : i32
    %dma_wait3A_350 = arith.constant 0 : i32
    %dma_wait3A_351 = tpu.memref_slice %arg1[%dma_wait3A_349, %dma_wait3A_350] : memref<8192x4096xf32, #tpu.memory_space<any>> -> memref<256x4096xf32, #tpu.memory_space<any>>
    tpu.wait_dma2 semaphore(%dma_wait3A_348 : memref<!tpu.dma_semaphore, #tpu.memory_space<semaphore_mem>>) src(%arg2 : memref<256x4096xf32, #tpu.memory_space<vmem>>) dst(%dma_wait3A_351 : memref<256x4096xf32, #tpu.memory_space<any>>)
    %dma_wait3A_352 = arith.constant 2 : i32
    %dma_wait3A_353 = tpu.memref_slice %arg3[%dma_wait3A_352] : memref<8x!tpu.dma_semaphore, #tpu.memory_space<semaphore_mem>> -> memref<1x!tpu.dma_semaphore, #tpu.memory_space<semaphore_mem>>
    %dma_wait3A_354 = tpu.memref_squeeze %dma_wait3A_353 : memref<1x!tpu.dma_semaphore, #tpu.memory_space<semaphore_mem>> -> memref<!tpu.dma_semaphore, #tpu.memory_space<semaphore_mem>>
    %dma_wait3A_355 = arith.constant 6656 : i32
    %dma_wait3A_356 = arith.constant 0 : i32
    %dma_wait3A_357 = tpu.memref_slice %arg1[%dma_wait3A_355, %dma_wait3A_356] : memref<8192x4096xf32, #tpu.memory_space<any>> -> memref<256x4096xf32, #tpu.memory_space<any>>
    tpu.wait_dma2 semaphore(%dma_wait3A_354 : memref<!tpu.dma_semaphore, #tpu.memory_space<semaphore_mem>>) src(%arg2 : memref<256x4096xf32, #tpu.memory_space<vmem>>) dst(%dma_wait3A_357 : memref<256x4096xf32, #tpu.memory_space<any>>)
    %dma_wait3A_358 = arith.constant 3 : i32
    %dma_wait3A_359 = tpu.memref_slice %arg3[%dma_wait3A_358] : memref<8x!tpu.dma_semaphore, #tpu.memory_space<semaphore_mem>> -> memref<1x!tpu.dma_semaphore, #tpu.memory_space<semaphore_mem>>
    %dma_wait3A_360 = tpu.memref_squeeze %dma_wait3A_359 : memref<1x!tpu.dma_semaphore, #tpu.memory_space<semaphore_mem>> -> memref<!tpu.dma_semaphore, #tpu.memory_space<semaphore_mem>>
    %dma_wait3A_361 = arith.constant 6912 : i32
    %dma_wait3A_362 = arith.constant 0 : i32
    %dma_wait3A_363 = tpu.memref_slice %arg1[%dma_wait3A_361, %dma_wait3A_362] : memref<8192x4096xf32, #tpu.memory_space<any>> -> memref<256x4096xf32, #tpu.memory_space<any>>
    tpu.wait_dma2 semaphore(%dma_wait3A_360 : memref<!tpu.dma_semaphore, #tpu.memory_space<semaphore_mem>>) src(%arg2 : memref<256x4096xf32, #tpu.memory_space<vmem>>) dst(%dma_wait3A_363 : memref<256x4096xf32, #tpu.memory_space<any>>)
    %dma_wait3A_364 = arith.constant 4 : i32
    %dma_wait3A_365 = tpu.memref_slice %arg3[%dma_wait3A_364] : memref<8x!tpu.dma_semaphore, #tpu.memory_space<semaphore_mem>> -> memref<1x!tpu.dma_semaphore, #tpu.memory_space<semaphore_mem>>
    %dma_wait3A_366 = tpu.memref_squeeze %dma_wait3A_365 : memref<1x!tpu.dma_semaphore, #tpu.memory_space<semaphore_mem>> -> memref<!tpu.dma_semaphore, #tpu.memory_space<semaphore_mem>>
    %dma_wait3A_367 = arith.constant 7168 : i32
    %dma_wait3A_368 = arith.constant 0 : i32
    %dma_wait3A_369 = tpu.memref_slice %arg1[%dma_wait3A_367, %dma_wait3A_368] : memref<8192x4096xf32, #tpu.memory_space<any>> -> memref<256x4096xf32, #tpu.memory_space<any>>
    tpu.wait_dma2 semaphore(%dma_wait3A_366 : memref<!tpu.dma_semaphore, #tpu.memory_space<semaphore_mem>>) src(%arg2 : memref<256x4096xf32, #tpu.memory_space<vmem>>) dst(%dma_wait3A_369 : memref<256x4096xf32, #tpu.memory_space<any>>)
    %dma_wait3A_370 = arith.constant 5 : i32
    %dma_wait3A_371 = tpu.memref_slice %arg3[%dma_wait3A_370] : memref<8x!tpu.dma_semaphore, #tpu.memory_space<semaphore_mem>> -> memref<1x!tpu.dma_semaphore, #tpu.memory_space<semaphore_mem>>
    %dma_wait3A_372 = tpu.memref_squeeze %dma_wait3A_371 : memref<1x!tpu.dma_semaphore, #tpu.memory_space<semaphore_mem>> -> memref<!tpu.dma_semaphore, #tpu.memory_space<semaphore_mem>>
    %dma_wait3A_373 = arith.constant 7424 : i32
    %dma_wait3A_374 = arith.constant 0 : i32
    %dma_wait3A_375 = tpu.memref_slice %arg1[%dma_wait3A_373, %dma_wait3A_374] : memref<8192x4096xf32, #tpu.memory_space<any>> -> memref<256x4096xf32, #tpu.memory_space<any>>
    tpu.wait_dma2 semaphore(%dma_wait3A_372 : memref<!tpu.dma_semaphore, #tpu.memory_space<semaphore_mem>>) src(%arg2 : memref<256x4096xf32, #tpu.memory_space<vmem>>) dst(%dma_wait3A_375 : memref<256x4096xf32, #tpu.memory_space<any>>)
    %dma_wait3A_376 = arith.constant 6 : i32
    %dma_wait3A_377 = tpu.memref_slice %arg3[%dma_wait3A_376] : memref<8x!tpu.dma_semaphore, #tpu.memory_space<semaphore_mem>> -> memref<1x!tpu.dma_semaphore, #tpu.memory_space<semaphore_mem>>
    %dma_wait3A_378 = tpu.memref_squeeze %dma_wait3A_377 : memref<1x!tpu.dma_semaphore, #tpu.memory_space<semaphore_mem>> -> memref<!tpu.dma_semaphore, #tpu.memory_space<semaphore_mem>>
    %dma_wait3A_379 = arith.constant 7680 : i32
    %dma_wait3A_380 = arith.constant 0 : i32
    %dma_wait3A_381 = tpu.memref_slice %arg1[%dma_wait3A_379, %dma_wait3A_380] : memref<8192x4096xf32, #tpu.memory_space<any>> -> memref<256x4096xf32, #tpu.memory_space<any>>
    tpu.wait_dma2 semaphore(%dma_wait3A_378 : memref<!tpu.dma_semaphore, #tpu.memory_space<semaphore_mem>>) src(%arg2 : memref<256x4096xf32, #tpu.memory_space<vmem>>) dst(%dma_wait3A_381 : memref<256x4096xf32, #tpu.memory_space<any>>)
    %dma_wait3A_382 = arith.constant 7 : i32
    %dma_wait3A_383 = tpu.memref_slice %arg3[%dma_wait3A_382] : memref<8x!tpu.dma_semaphore, #tpu.memory_space<semaphore_mem>> -> memref<1x!tpu.dma_semaphore, #tpu.memory_space<semaphore_mem>>
    %dma_wait3A_384 = tpu.memref_squeeze %dma_wait3A_383 : memref<1x!tpu.dma_semaphore, #tpu.memory_space<semaphore_mem>> -> memref<!tpu.dma_semaphore, #tpu.memory_space<semaphore_mem>>
    %dma_wait3A_385 = arith.constant 7936 : i32
    %dma_wait3A_386 = arith.constant 0 : i32
    %dma_wait3A_387 = tpu.memref_slice %arg1[%dma_wait3A_385, %dma_wait3A_386] : memref<8192x4096xf32, #tpu.memory_space<any>> -> memref<256x4096xf32, #tpu.memory_space<any>>
    tpu.wait_dma2 semaphore(%dma_wait3A_384 : memref<!tpu.dma_semaphore, #tpu.memory_space<semaphore_mem>>) src(%arg2 : memref<256x4096xf32, #tpu.memory_space<vmem>>) dst(%dma_wait3A_387 : memref<256x4096xf32, #tpu.memory_space<any>>)
    return
  }
}

</mosaic_0001>

<sc_bundles>
// kernel: kernel.4.cloned.1.call-start
scs
__scs_entry_jumppad:
0x0: {  	(pc) =	sbr.rel $0x88, $3  }
0x1: {  	(tag) =	ssettag $0x0;
	lr =	simm.s32 $0x1  }
0x2: {  	[smem:$0x3F9F] =	sst lr;
	_ =	strace $0xD0000000  }
0x3: {  	_ = 	snop  }
0x4: {  	_ = 	snop  }
0x5: {  	_ = 	snop  }
0x6: {  	_ = 	snop  }
0x7: {  	_ = 	snop  }
__scs_overlays_trampoline_lowered:
0x8: {  	[smem:$0x3FAE] =	sst s0  }
0x9: {  	[smem:$0x3FAF] =	sst s1  }
0xa: {  	[smem:$0x3FB0] =	sst s2  }
0xb: {  	[smem:$0x3FB1] =	sst s3  }
0xc: {  	[smem:$0x3FB2] =	sst s4  }
0xd: {  	[smem:$0x3FB3] =	sst s5  }
0xe: {  	[smem:$0x3FB4] =	sst s6  }
0xf: {  	[smem:$0x3FB5] =	sst s7  }
0x10: {  	[smem:$0x3FB6] =	sst s8  }
0x11: {  	[smem:$0x3FB7] =	sst s9;
	s0 =	simm.s32 @!p0 $0x0  }
0x12: {  	s1 =	sld [smem:$0x3F9D];
	s0 =	simm.s32 @p0 $0x1  }
0x13: {  	[smem:$0x3FB8] =	sst s0;
	s0 =	simm.s32 @!p1 $0x0  }
0x14: {  	s2 =	sld [smem:$0x3F9C];
	s0 =	simm.s32 @p1 $0x1  }
0x15: {  	[smem:$0x3FB9] =	sst s0;
	s0 =	simm.s32 @!p2 $0x0  }
0x16: {  	s3 =	sld [smem:$0x3FDB];
	s0 =	simm.s32 @p2 $0x1  }
0x17: {  	s4 =	simm.s32 $0x1BF5;
	[smem:$0x3FBB] =	sst s0  }
0x18: {  	s0 =	sld [smem:$0x3F9E];
	_ =	swait.ge [sflag:s4], $0x0  }
0x19: {  	s7 =	sld [smem:$0x3F9F]  }
0x1a: {  	s8 =	sadd.s32 $0xFFFFE003, lr  }
0x1b: {  	s9 =	sadd.s32 $0xFFFFFEF7, lr;
	s5 =	simm.s32 $0xFFFFFFFF;
	p2 =	slt.u32 s8, $0xFFFFF086  }
0x1c: {  	p1 =	slt.u32 s9, $0xF7A;
	s5 =	simm.s32 @!p2 $0x0  }
0x1d: {  	s5 =	simm.s32 @p1 $0x1;
	p0 =	seq.s32 s7, s2  }
0x1e: {  	s7 =	smul.u32 @!p0 $0xF7A, s2;
	p2 =	seq.s32 @!p0 s5, $0x0  }
0x1f: {  	s9 =	smul.u32 $0xF7A, s1;
	s8 =	simm.s32 @!p0 $0x1BF5;
	p2 =	por !p2, p0  }
0x20: {  	[sflag:s8] =	ssyncset.s32 @!p0 $0xFFFFF086;
	s6 =	sadd.s32 @!p0 s3, s7;
	s7 =	simm.s32 @!p0 $0x108  }
0x21: {  	s3 =	sadd.s32 s3, s9;
	s6 =	sadd.s32 @!p0 $0x88, s6;
	s7 =	simm.s32 @p2 $0x1082  }
0x22: {  	[simem:s7], [sflag:s8] =	dma.local @!p0 [hbm:s6], $0xF7A  }
0x23: {  	s9 =	sor.u32 $0xD0000000, s2;
	s6 =	simm.s32 $0x108;
	_ =	swait.ge @!p0 [sflag:s8], $0x0  }
0x24: {  	s3 =	sadd.s32 $0x88, s3;
	s6 =	simm.s32 @!p1 $0x1082;
	[sflag:s4] =	ssyncset.s32 $0xFFFFF086  }
0x25: {  	[simem:s6], [sflag:s4] =	dma.local [hbm:s3], $0xF7A  }
0x26: {  	[smem:$0x3F9F] =	sst s1;
	(tag) =	ssettag s2;
	_ =	strace s9  }
0x27: {  	s1 =	sld [smem:$0x3FAF]  }
0x28: {  	s2 =	sld [smem:$0x3FB0]  }
0x29: {  	s4 =	sld [smem:$0x3FB2]  }
0x2a: {  	p0 =	seq.s32 s5, $0x0;
	s5 =	sld [smem:$0x3FB3]  }
0x2b: {  	s6 =	sld [smem:$0x3FB4]  }
0x2c: {  	s7 =	sld [smem:$0x3FB5]  }
0x2d: {  	s3 =	simm.s32 $0x108;
	s8 =	sld [smem:$0x3FB6]  }
0x2e: {  	s3 =	simm.s32 @!p0 $0x1082;
	s9 =	sld [smem:$0x3FB7]  }
0x2f: {  	lr =	sadd.s32 s0, s3;
	s0 =	sld [smem:$0x3FAE]  }
0x30: {  	s3 =	sld [smem:$0x3FB1]  }
0x31: {  	[smem:$0x3FBA] =	sst s10  }
0x32: {  	s10 =	sld [smem:$0x3FB8];
	_ =	sdelay $0x3  }
0x33: {  	p0 =	seq.s32 s10, $0x1;
	s10 =	sld [smem:$0x3FBA];
	_ =	sdelay $0x3  }
0x34: {  	[smem:$0x3FBA] =	sst s10  }
0x35: {  	s10 =	sld [smem:$0x3FB9];
	_ =	sdelay $0x3  }
0x36: {  	p1 =	seq.s32 s10, $0x1;
	s10 =	sld [smem:$0x3FBA];
	_ =	sdelay $0x3  }
0x37: {  	[smem:$0x3FBA] =	sst s10  }
0x38: {  	s10 =	sld [smem:$0x3FBB]  }
0x39: {  	_ = 	snop;
	(pc) =	sbr.ind lr, $3  }
0x3a: {  	_ = 	snop  }
0x3b: {  	_ = 	snop  }
0x3c: {  	p2 =	seq.s32 s10, $0x1;
	s10 =	sld [smem:$0x3FBA]  }
0x3d: {  	_ =	shalt  }
0x3e: {  	_ =	shalt  }
0x3f: {  	_ =	shalt  }
0x40: {  	_ =	shalt  }
0x41: {  	_ =	shalt  }
0x42: {  	_ =	shalt  }
0x43: {  	_ =	shalt  }
0x44: {  	_ =	shalt  }
0x45: {  	_ =	shalt  }
0x46: {  	_ =	shalt  }
0x47: {  	_ =	shalt  }
0x48: {  	_ =	shalt  }
0x49: {  	_ =	shalt  }
0x4a: {  	_ =	shalt  }
0x4b: {  	_ =	shalt  }
0x4c: {  	_ =	shalt  }
0x4d: {  	_ =	shalt  }
0x4e: {  	_ =	shalt  }
0x4f: {  	_ =	shalt  }
0x50: {  	_ =	shalt  }
0x51: {  	_ =	shalt  }
0x52: {  	_ =	shalt  }
0x53: {  	_ =	shalt  }
0x54: {  	_ =	shalt  }
0x55: {  	_ =	shalt  }
0x56: {  	_ =	shalt  }
0x57: {  	_ =	shalt  }
0x58: {  	_ =	shalt  }
0x59: {  	_ =	shalt  }
0x5a: {  	_ =	shalt  }
0x5b: {  	_ =	shalt  }
0x5c: {  	_ =	shalt  }
0x5d: {  	_ =	shalt  }
0x5e: {  	_ =	shalt  }
0x5f: {  	_ =	shalt  }
0x60: {  	_ =	shalt  }
0x61: {  	_ =	shalt  }
0x62: {  	_ =	shalt  }
0x63: {  	_ =	shalt  }
0x64: {  	_ =	shalt  }
0x65: {  	_ =	shalt  }
0x66: {  	_ =	shalt  }
0x67: {  	_ =	shalt  }
0x68: {  	_ =	shalt  }
0x69: {  	_ =	shalt  }
0x6a: {  	_ =	shalt  }
0x6b: {  	_ =	shalt  }
0x6c: {  	_ =	shalt  }
0x6d: {  	_ =	shalt  }
0x6e: {  	_ =	shalt  }
0x6f: {  	_ =	shalt  }
0x70: {  	_ =	shalt  }
0x71: {  	_ =	shalt  }
0x72: {  	_ =	shalt  }
0x73: {  	_ =	shalt  }
0x74: {  	_ =	shalt  }
0x75: {  	_ =	shalt  }
0x76: {  	_ =	shalt  }
0x77: {  	_ =	shalt  }
0x78: {  	_ =	shalt  }
0x79: {  	_ =	shalt  }
0x7a: {  	_ =	shalt  }
0x7b: {  	_ =	shalt  }
0x7c: {  	_ =	shalt  }
0x7d: {  	_ =	shalt  }
0x7e: {  	_ =	shalt  }
0x7f: {  	_ =	shalt  }
0x80: {  	_ =	shalt  }
0x81: {  	_ =	shalt  }
0x82: {  	_ =	shalt  }
0x83: {  	_ =	shalt  }
0x84: {  	_ =	shalt  }
0x85: {  	_ =	shalt  }
0x86: {  	_ =	shalt  }
0x87: {  	_ =	shalt  }
.Lfunc_end0:
.L_simem_size_0:
called_computation.2_lowered:
.L_overlay_start_0:
0x88: {  	s2 =	sld [smem:$0x3FD9]  }
0x89: {  	s3 =	sld [smem:$0x3FFE];
	_ =	sdelay $0x1  }
0x8a: {  	s1 =	srdreg.scid  }
0x8b: {  	s0 =	sand.u32 $0x1, s1  }
0x8c: {  	s17 =	sshll.u32 s0, $0xA;
	s2 =	sadd.s32 s3, s2  }
0x8d: {  	s2 =	sadd.s32 s2, s17  }
0x8e: {  	[smem:$0x3FC6] =	sst s2  }
0x8f: {  	_ = 	snop  }
0x90: {  	s2 =	sld [smem:$0x3FC9]  }
0x91: {  	s18 =	sld [smem:$0x3FC8];
	(tm) =	ssettm $0x1  }
0x92: {  	s4 =	sld [smem:$0x3FFB];
	_ =	sdelay $0x3  }
0x93: {  	_ =	strace s4  }
0x94: {  	s4 =	sld [smem:$0x3FFC];
	_ =	sdelay $0x3  }
0x95: {  	_ =	strace s4  }
0x96: {  	s4 =	sld [smem:$0x3FFD];
	_ =	sdelay $0x3  }
0x97: {  	_ =	strace s4  }
0x98: {  	_ =	strace $0x8FFFFFFF  }
0x99: {  	s19 =	sld [smem:$0x3FDB];
	_ =	sdelay $0x1  }
0x9a: {  	s5 =	simm.s32 $_scs_section_size  }
0x9b: {  	s6 =	simm.s32 $_size__tile_overlayer_lowered;
	s7 =	simm.s32 $_tile_overlayer_lowered  }
0x9c: {  	s22 =	simm.s32 $0x1BFF;
	s21 =	sshll.u32 s7, $0x1;
	s4 =	sadd.s32 s5, s19  }
0x9d: {  	s8 =	simm.s32 $0x0;
	s20 =	sshll.u32 s6, $0x1;
	s6 =	sadd.s32 s21, s4  }
0x9e: {  	[timem:s8], [sflag:s22] =	dma.local [hbm:s6], s20  }
0x9f: {  	_ =	swait.ge [sflag:s22], s20  }
0xa0: {  	s5 =	ssub.s32 $0x0, s20;
	[sflag:s22] =	ssyncset.done $0x0  }
0xa1: {  	[sflag:s22] =	ssyncadd.s32 s5;
	_ =	sdelay $0x1  }
0xa2: {  	s23 =	simm.s32 $0x1B8B  }
0xa3: {  	_ =	swait.ge [sflag:s23], $0x1  }
0xa4: {  	[sflag:s23] =	ssyncset.done $0x0  }
0xa5: {  	s25 =	simm.s32 $0x1B8E;
	s24 =	sld [smem:$0x3FFE];
	[sflag:s23] =	ssyncadd.s32 $0xFFFFFFFF  }
0xa6: {  	s26 =	simm.s32 $execute0_lowered;
	[smem:$0x3FD2] =	sst s25  }
0xa7: {  	s6 =	sshll.u32 s26, $0x1;
	_ =	strace $0x80000049;
	[dreg:$0x1] =	wrdreg $0xFFFFFFFF  }
0xa8: {  	s28 =	simm.s32 $_size_execute0_lowered;
	s4 =	sadd.s32 s4, s6;
	[dreg:$0x0] =	wrdreg $0x0  }
0xa9: {  	s6 =	sshll.u32 s28, $0x1;
	[dreg:$0x2] =	wrdreg s4  }
0xaa: {  	[dreg:$0x3] =	wrdreg s6  }
0xab: {  	[dreg:$0x4] =	wrdreg $0xC0  }
0xac: {  	_ =	task [dreg:s8], $0x5FFFF  }
0xad: {  	[dreg:$0x1] =	wrdreg $0xFFFFFFFF  }
0xae: {  	[dreg:$0x0] =	wrdreg $0x60  }
0xaf: {  	[dreg:$0x2] =	wrdreg s24  }
0xb0: {  	[dreg:$0x3] =	wrdreg s18  }
0xb1: {  	[dreg:$0x4] =	wrdreg s2  }
0xb2: {  	[dreg:$0x5] =	wrdreg $0x9  }
0xb3: {  	_ =	task.clear_ibuf [dreg:s8], $0x6FFFF;
	_ =	strace $0x90000049  }
0xb4: {  	s29 =	simm.s32 $0x9;
	_ =	strace $0x8000004B  }
0xb5: {  	_ =	swait.ge [sflag:s29], $0x1  }
0xb6: {  	[sflag:s29] =	ssyncadd.s32 $0xFFFFFFFF  }
0xb7: {  	_ =	strace $0x9000004B  }
0xb8: {  	_ =	sfence  }
0xb9: {  	s30 =	sld [smem:$0x0];
	_ =	sdelay $0x2  }
0xba: {  	s31 =	sshll.u32 s1, $0xD;
	s1 =	sshrl.u32 s1, $0x2  }
0xbb: {  	s3 =	sand.u32 $0x4000, s31;
	s1 =	sadd.s32 s1, s30  }
0xbc: {  	s0 =	sor.u32 s3, s0;
	s1 =	sshll.u32 s1, $0x11  }
0xbd: {  	s0 =	sor.u32 s1, s0  }
0xbe: {  	s0 =	sadd.s32 $0x8F2B, s0  }
0xbf: {  	[sflag:s0] =	ssyncadd.remote.s32 $0x1  }
0xc0: {  	_ =	sfence.sel $0xFFFF  }
0xc1: {  	[dreg:$0x0] =	wrdreg $0xFFFFFFFF;
	(pc) =	sbr.abs _section_cstart, $3  }
0xc2: {  	[dreg:$0x1] =	wrdreg $0xFFFFFFFF  }
0xc3: {  	_ =	task.clear_ibuf [dreg:s8], $0x2FFFF;
	_ =	strace $0x9FFFFFFF  }
0xc4: {  	(tm) =	ssettm $0x7FFFFFFF  }
0xc5: {  	_ =	shalt  }
tec
execute0_lowered:
.L_overlay_start_1:
0x0: {  	(tag) =	ssettag $0x1  }
0x1: {  	s7 =	rddreg [dreg:$0x0];
	s1 =	srdreg.scid  }
0x2: {  	s2 =	rddreg [dreg:$0x1];
	s0 =	stileid.u32;
	s9 =	sand.u32 $0x1, s1  }
0x3: {  	s5 =	rddreg [dreg:$0x2];
	s4 =	sshll.u32 s0, $0x9;
	s6 =	sshll.u32 s9, $0x8  }
0x4: {  	s3 =	simm.s32 $0x0;
	s1 =	rddreg [dreg:$0x3];
	s8 =	sor.u32 s6, s4  }
0x5: {  	[smem:$0x7FF] =	sst s3;
	s6 =	sshrl.u32 s8, $0x3  }
0x6: {  	_ =	strace $0x8000004A;
	s4 =	sadd.s32 s2, s6;
	s2 =	simm.s32 $0x1  }
0x7: {  	[tilespmem:s3], [sflag:$0x1] =	stream.linear.gather [hbm4b:s4+s3], $0x100, $0x38;
	[tilespmem:$0x400] =	vst v63  }
0x8: {  	_ =	swait.ge [sflag:s2], $0x100  }
0x9: {  	[sflag:s2] =	ssyncset.done $0x0  }
0xa: {  	s5 =	sadd.s32 s5, s6;
	s6 =	simm.s32 $0x100;
	[sflag:s2] =	ssyncadd.s32 $0xFFFFFF00  }
0xb: {  	v0 =	vlaneseq.u32;
	[tilespmem:s6], [sflag:$0x1] =	stream.linear.gather [hbm4b:s5+s3], $0x100, $0x38;
	[tilespmem:$0x400] =	vst v63  }
0xc: {  	v14 =	vmul.u32 $0x1000, v0;
	v1 =	vmov s8;
	s18 =	sor.u32 $0x20, s8;
	_ =	swait.ge [sflag:s2], $0x100  }
0xd: {  	v4 =	vimm.f32 $-1.000000000e+00;
	s10 =	sor.u32 $0x10, s8;
	s19 =	sor.u32 $0x30, s8;
	v0 =	vshll.u32 v1, $0xC;
	v1 =	vmov s18;
	[sflag:s2] =	ssyncset.done $0x0  }
0xe: {  	s21 =	sor.u32 $0x50, s8;
	s23 =	sor.u32 $0x70, s8;
	v6 =	vmov s19;
	v3 =	vor.u32 v14, v0;
	v0 =	vmov s10;
	[sflag:s2] =	ssyncadd.s32 $0xFFFFFF00  }
0xf: {  	s29 =	sor.u32 $0xC0, s8;
	v8 =	vmov s21;
	v9 =	vmov s23;
	v0 =	vshll.u32 v0, $0xC;
	[tilespmem:$0x300] =	vst v4;
	v5 =	vld [tilespmem:$0x1D0]  }
0x10: {  	s20 =	sor.u32 $0x40, s8;
	v17 =	vmov s29;
	v2 =	vor.u32 v14, v0;
	v0 =	vshll.u32 v1, $0xC;
	[tilespmem:$0x310] =	vst v4;
	v20 =	vld [tilespmem:$0x140]  }
0x11: {  	s30 =	sor.u32 $0xD0, s8;
	s31 =	sor.u32 $0xE0, s8;
	v1 =	vor.u32 v14, v0;
	v0 =	vshll.u32 v6, $0xC;
	v6 =	vmov s20;
	[tilespmem:$0x320] =	vst v4;
	v22 =	vld [tilespmem:$0x180]  }
0x12: {  	s22 =	sor.u32 $0x60, s8;
	s24 =	sor.u32 $0x80, s8;
	s25 =	sor.u32 $0x90, s8;
	v18 =	vmov s30;
	v21 =	vmov s31;
	v6 =	vshll.u32 v6, $0xC;
	[tilespmem:$0x330] =	vst v4;
	v19 =	vld [tilespmem:$0x160]  }
0x13: {  	s26 =	sor.u32 $0xA0, s8;
	s28 =	sor.u32 $0xB0, s8;
	s8 =	sor.u32 $0xF0, s8;
	v7 =	vor.u32 v14, v6;
	v6 =	vshll.u32 v8, $0xC;
	v8 =	vmov s22;
	[tilespmem:$0x340] =	vst v4;
	v23 =	vld [tilespmem:$0x60]  }
0x14: {  	v30 =	vmov s8;
	v11 =	vor.u32 v14, v6;
	v6 =	vshll.u32 v8, $0xC;
	[tilespmem:$0x350] =	vst v4;
	v16 =	vld [tilespmem:$0x1C0]  }
0x15: {  	s9 =	ssub.s32 $0x2, s9;
	v8 =	vor.u32 v14, v6;
	v6 =	vshll.u32 v9, $0xC;
	v9 =	vmov s24;
	v25 =	vld [tilespmem:$0x150];
	[tilespmem:$0x360] =	vst v4  }
0x16: {  	s11 =	sshrl.u32 s9, $0x1;
	v10 =	vor.u32 v14, v6;
	v6 =	vshll.u32 v9, $0xC;
	v9 =	vmov s25;
	[tilespmem:$0x370] =	vst v4;
	v24 =	vld [tilespmem:$0xC0]  }
0x17: {  	s9 =	ssub.s32 s9, s11;
	v26 =	vld [tilespmem:$0x80];
	[tilespmem:$0x380] =	vst v4;
	v15 =	vor.u32 v14, v6;
	v6 =	vshll.u32 v9, $0xC;
	v9 =	vmov s26  }
0x18: {  	s13 =	smax.u32 s9, $0x1;
	v27 =	vld [tilespmem:$0x50];
	[tilespmem:$0x390] =	vst v4;
	v12 =	vor.u32 v14, v6;
	v6 =	vshll.u32 v9, $0xC;
	v9 =	vmov s28  }
0x19: {  	v29 =	vshll.u32 v21, $0xC;
	v30 =	vshll.u32 v30, $0xC;
	p0 =	sne.s32 s13, $0x1;
	v28 =	vld [tilespmem:$0x40];
	[tilespmem:$0x3A0] =	vst v4;
	v9 =	vshll.u32 v9, $0xC  }
.Ltmp0:
0x1a: {  	v0 =	vor.u32 v14, v0;
	[tilespmem:$0x3B0] =	vst v4;
	v21 =	vld [tilespmem:$0x20];
	v13 =	vor.u32 v14, v9;
	v9 =	vshll.u32 v17, $0xC;
	(pc) =	sbr.rel @!p0 .LBB2_2-.Ltmp0, $4  }
0x1b: {  	[tilespmem:$0x3C0] =	vst v4;
	v17 =	vor.u32 v14, v9;
	v9 =	vshll.u32 v18, $0xC;
	v18 =	vld [tilespmem:$0x30];
	v24 =	vshll.u32 v24, $0x6  }
0x1c: {  	s12 =	simm.s32 $0x380;
	[tilespmem:$0x3D0] =	vst v4;
	v6 =	vor.u32 v14, v6;
	v31 =	vshll.u32 v26, $0x6;
	v26 =	vadd.s32 v17, v24;
	v24 =	vld [tilespmem:$0xE0]  }
0x1d: {  	s7 =	sadd.s32 $0xC00, s7;
	s11 =	simm.s32 $0x280;
	s8 =	simm.s32 $0x80;
	[tilespmem:$0x3E0] =	vst v4;
	v9 =	vor.u32 v14, v9;
	v31 =	vadd.s32 v15, v31;
	v32 =	vadd.s32 v16, v26;
	v26 =	vld [tilespmem:$0x10]  }
0x1e: {  	s9 =	simm.s32 $0x200;
	s10 =	simm.s32 $0x300;
	s13 =	sadd.s32 $0xFFFFFFFF, s13;
	v16 =	vor.u32 v14, v29;
	v14 =	vor.u32 v14, v30;
	v29 =	vld [tilespmem:$0x0];
	v22 =	vadd.s32 v22, v31;
	[tilespmem:$0x2C0] =	vst v32  }
.LBB2_1:
0x1f: {  	p0 =	sne.s32 s13, $0x1;
	s13 =	sadd.s32 $0xFFFFFFFF, s13;
	v28 =	vshll.u32 v28, $0x6;
	v27 =	vshll.u32 v27, $0x6;
	v30 =	vld [tilespmem:$0x70];
	[tilespmem:$0x3F0] =	vst v4  }
0x20: {  	v28 =	vadd.s32 v7, v28;
	v27 =	vadd.s32 v11, v27;
	v31 =	vld [tilespmem:$0x90]  }
0x21: {  	v32 =	vld [tilespmem:$0x100];
	v25 =	vadd.s32 v25, v27  }
0x22: {  	v20 =	vadd.s32 v20, v28;
	v27 =	vld [tilespmem:$0x170]  }
0x23: {  	v23 =	vshll.u32 v23, $0x6;
	[tilespmem:$0x250] =	vst v25;
	v25 =	vld [tilespmem:$0x190]  }
0x24: {  	v28 =	vshll.u32 v29, $0x6;
	[tilespmem:$0x240] =	vst v20;
	v20 =	vadd.s32 v8, v23;
	v23 =	vshll.u32 v30, $0x6;
	v29 =	vld [tilespmem:$0xB0]  }
0x25: {  	v28 =	vadd.s32 v3, v28;
	v30 =	vld [tilespmem:$0x110];
	v19 =	vadd.s32 v19, v20  }
0x26: {  	v23 =	vadd.s32 v10, v23;
	v20 =	vadd.s32 v32, v28;
	v28 =	vshll.u32 v31, $0x6;
	v31 =	vld [tilespmem:$0x1B0]  }
0x27: {  	[tilespmem:$0x260] =	vst v19;
	v19 =	vadd.s32 v27, v23;
	v23 =	vadd.s32 v12, v28;
	v27 =	vld [tilespmem:$0xA0]  }
0x28: {  	v26 =	vshll.u32 v26, $0x6;
	[tilespmem:$0x270] =	vst v19;
	v19 =	vadd.s32 v25, v23;
	v23 =	vld [tilespmem:$0x1E0]  }
0x29: {  	v25 =	vadd.s32 v2, v26;
	[tilespmem:$0x290] =	vst v19;
	v19 =	vshll.u32 v29, $0x6;
	v26 =	vld [tilespmem:$0xD0]  }
0x2a: {  	[tilespmem:$0x200] =	vst v20;
	v20 =	vadd.s32 v30, v25;
	v25 =	vld [tilespmem:$0x120];
	v19 =	vadd.s32 v13, v19  }
0x2b: {  	v24 =	vshll.u32 v24, $0x6;
	v28 =	vld [tilespmem:$0x1A0];
	v19 =	vadd.s32 v31, v19  }
0x2c: {  	v27 =	vshll.u32 v27, $0x6;
	[tilespmem:$0x2B0] =	vst v19;
	v19 =	vadd.s32 v16, v24;
	v24 =	vld [tilespmem:$0xF0]  }
0x2d: {  	[tilespmem:$0x210] =	vst v20;
	v20 =	vshll.u32 v21, $0x6;
	v21 =	vadd.s32 v6, v27;
	v19 =	vadd.s32 v23, v19  }
0x2e: {  	v20 =	vadd.s32 v1, v20;
	v23 =	vshll.u32 v26, $0x6;
	[tilespmem:$0x2E0] =	vst v19;
	v19 =	vld [tilespmem:$0x1F0]  }
0x2f: {  	v20 =	vadd.s32 v25, v20;
	v25 =	vld [tilespmem:$0x130];
	v23 =	vadd.s32 v9, v23  }
0x30: {  	[tilespmem:$0x220] =	vst v20;
	v20 =	vadd.s32 v28, v21;
	v5 =	vadd.s32 v5, v23  }
0x31: {  	[tilespmem:$0x2A0] =	vst v20;
	v20 =	vshll.u32 v24, $0x6  }
0x32: {  	v18 =	vshll.u32 v18, $0x6;
	[tilespmem:$0x280] =	vst v22;
	v20 =	vadd.s32 v14, v20  }
0x33: {  	v18 =	vadd.s32 v0, v18;
	[tilespmem:$0x2D0] =	vst v5;
	v5 =	vadd.s32 v19, v20  }
0x34: {  	v18 =	vadd.s32 v25, v18;
	[tilespmem:$0x2F0] =	vst v5  }
0x35: {  	[tilespmem:$0x230] =	vst v18  }
0x36: {  	[hbm4b:s7+s8] =	stream.indirect.scatter [tilespmem:s10], [sflag:$0x1], $0x1, s9, s8, $0xb8;
	[tilespmem:$0x400] =	vst v63  }
0x37: {  	_ =	swait.ge [sflag:s2], $0x80  }
0x38: {  	[sflag:s2] =	ssyncset.done $0x0  }
0x39: {  	[sflag:s2] =	ssyncadd.s32 $0xFFFFFF80  }
0x3a: {  	[hbm4b:s7+s8] =	stream.indirect.scatter [tilespmem:s12], [sflag:$0x1], $0x1, s11, s8, $0xb8;
	[tilespmem:$0x400] =	vst v63  }
0x3b: {  	_ =	swait.ge [sflag:s2], $0x80  }
0x3c: {  	[sflag:s2] =	ssyncset.done $0x0  }
0x3d: {  	[sflag:s2] =	ssyncadd.s32 $0xFFFFFF80  }
0x3e: {  	[tilespmem:s3], [sflag:$0x1] =	stream.linear.gather [hbm4b:s4+s3], $0x100, $0x38;
	[tilespmem:$0x400] =	vst v63  }
0x3f: {  	_ =	swait.ge [sflag:s2], $0x100  }
0x40: {  	[sflag:s2] =	ssyncset.done $0x0  }
0x41: {  	[sflag:s2] =	ssyncadd.s32 $0xFFFFFF00  }
0x42: {  	[tilespmem:s6], [sflag:$0x1] =	stream.linear.gather [hbm4b:s5+s3], $0x100, $0x38;
	[tilespmem:$0x400] =	vst v63  }
0x43: {  	_ =	swait.ge [sflag:s2], $0x100  }
0x44: {  	[sflag:s2] =	ssyncset.done $0x0  }
0x45: {  	[sflag:s2] =	ssyncadd.s32 $0xFFFFFF00  }
0x46: {  	[tilespmem:$0x300] =	vst v4;
	v5 =	vld [tilespmem:$0x1D0]  }
0x47: {  	[tilespmem:$0x310] =	vst v4;
	v20 =	vld [tilespmem:$0x140]  }
0x48: {  	[tilespmem:$0x320] =	vst v4;
	v22 =	vld [tilespmem:$0x180]  }
0x49: {  	[tilespmem:$0x330] =	vst v4;
	v19 =	vld [tilespmem:$0x160]  }
0x4a: {  	[tilespmem:$0x340] =	vst v4;
	v23 =	vld [tilespmem:$0x60]  }
0x4b: {  	[tilespmem:$0x350] =	vst v4;
	v29 =	vld [tilespmem:$0x1C0]  }
0x4c: {  	v25 =	vld [tilespmem:$0x150];
	[tilespmem:$0x360] =	vst v4  }
0x4d: {  	[tilespmem:$0x370] =	vst v4;
	v24 =	vld [tilespmem:$0xC0]  }
0x4e: {  	v26 =	vld [tilespmem:$0x80];
	[tilespmem:$0x380] =	vst v4  }
0x4f: {  	v27 =	vld [tilespmem:$0x50];
	[tilespmem:$0x390] =	vst v4  }
0x50: {  	v28 =	vld [tilespmem:$0x40];
	[tilespmem:$0x3A0] =	vst v4  }
.Ltmp1:
0x51: {  	v18 =	vld [tilespmem:$0x30];
	[tilespmem:$0x3B0] =	vst v4;
	(pc) =	sbr.rel @p0 .LBB2_1-.Ltmp1, $4  }
0x52: {  	v21 =	vld [tilespmem:$0x20];
	v24 =	vshll.u32 v24, $0x6;
	[tilespmem:$0x3C0] =	vst v4  }
0x53: {  	v30 =	vshll.u32 v26, $0x6;
	v31 =	vadd.s32 v17, v24;
	[tilespmem:$0x3D0] =	vst v4;
	v24 =	vld [tilespmem:$0xE0]  }
0x54: {  	v26 =	vld [tilespmem:$0x10];
	v30 =	vadd.s32 v15, v30;
	v31 =	vadd.s32 v29, v31;
	[tilespmem:$0x3E0] =	vst v4  }
0x55: {  	v29 =	vld [tilespmem:$0x0];
	v22 =	vadd.s32 v22, v30;
	[tilespmem:$0x2C0] =	vst v31  }
.LBB2_2:
0x56: {  	v15 =	vld [tilespmem:$0x70]  }
0x57: {  	v17 =	vld [tilespmem:$0x90]  }
0x58: {  	v30 =	vld [tilespmem:$0x100]  }
0x59: {  	v31 =	vld [tilespmem:$0x170]  }
0x5a: {  	v32 =	vld [tilespmem:$0x190]  }
0x5b: {  	v33 =	vld [tilespmem:$0xB0]  }
0x5c: {  	v27 =	vshll.u32 v27, $0x6;
	v60 =	vld [tilespmem:$0x110]  }
0x5d: {  	v28 =	vshll.u32 v28, $0x6;
	[tilespmem:$0x3F0] =	vst v4;
	v39 =	vld [tilespmem:$0x1E0];
	v11 =	vadd.s32 v11, v27  }
0x5e: {  	v63 =	vshll.u32 v23, $0x6;
	v46 =	vld [tilespmem:$0x120];
	[tilespmem:$0x280] =	vst v22;
	v61 =	vadd.s32 v7, v28;
	v62 =	vadd.s32 v25, v11  }
0x5f: {  	v58 =	vld [tilespmem:$0x130];
	v28 =	vadd.s32 v8, v63;
	v4 =	vadd.s32 v20, v61;
	[tilespmem:$0x250] =	vst v62;
	v47 =	vshll.u32 v26, $0x6  }
0x60: {  	v35 =	vld [tilespmem:$0xA0];
	v36 =	vadd.s32 v19, v28;
	v51 =	vshll.u32 v24, $0x6;
	[tilespmem:$0x240] =	vst v4;
	v2 =	vadd.s32 v2, v47  }
0x61: {  	v43 =	vld [tilespmem:$0xD0];
	v54 =	vshll.u32 v21, $0x6;
	[tilespmem:$0x260] =	vst v36;
	v53 =	vadd.s32 v16, v51;
	v2 =	vadd.s32 v60, v2  }
0x62: {  	v49 =	vld [tilespmem:$0x1A0];
	v63 =	vshll.u32 v18, $0x6;
	v1 =	vadd.s32 v1, v54;
	v55 =	vadd.s32 v39, v53;
	[tilespmem:$0x210] =	vst v2  }
0x63: {  	v25 =	vld [tilespmem:$0x1B0];
	v0 =	vadd.s32 v0, v63;
	v40 =	vshll.u32 v29, $0x6;
	v1 =	vadd.s32 v46, v1;
	[tilespmem:$0x2E0] =	vst v55  }
0x64: {  	v52 =	vld [tilespmem:$0xF0];
	v34 =	vshll.u32 v15, $0x6;
	v3 =	vadd.s32 v3, v40;
	v0 =	vadd.s32 v58, v0;
	[tilespmem:$0x220] =	vst v1  }
0x65: {  	v38 =	vshll.u32 v17, $0x6;
	v37 =	vadd.s32 v10, v34;
	v3 =	vadd.s32 v30, v3;
	[tilespmem:$0x230] =	vst v0  }
0x66: {  	v56 =	vld [tilespmem:$0x1F0];
	v45 =	vshll.u32 v33, $0x6;
	v42 =	vadd.s32 v12, v38;
	v41 =	vadd.s32 v31, v37;
	[tilespmem:$0x200] =	vst v3  }
0x67: {  	v11 =	vshll.u32 v35, $0x6;
	v48 =	vadd.s32 v13, v45;
	v44 =	vadd.s32 v32, v42;
	[tilespmem:$0x270] =	vst v41  }
0x68: {  	v59 =	vshll.u32 v43, $0x6;
	v57 =	vadd.s32 v6, v11;
	v50 =	vadd.s32 v25, v48;
	[tilespmem:$0x290] =	vst v44  }
0x69: {  	v62 =	vshll.u32 v52, $0x6;
	v61 =	vadd.s32 v9, v59;
	v60 =	vadd.s32 v49, v57;
	[tilespmem:$0x2B0] =	vst v50  }
0x6a: {  	v1 =	vadd.s32 v14, v62;
	v4 =	vadd.s32 v5, v61;
	[tilespmem:$0x2A0] =	vst v60  }
0x6b: {  	v1 =	vadd.s32 v56, v1;
	[tilespmem:$0x2D0] =	vst v4  }
0x6c: {  	[tilespmem:$0x2F0] =	vst v1  }
0x6d: {  	[hbm4b:s7+s8] =	stream.indirect.scatter [tilespmem:s10], [sflag:$0x1], $0x1, s9, s8, $0xb8;
	[tilespmem:$0x400] =	vst v63  }
0x6e: {  	_ =	swait.ge [sflag:s2], $0x80  }
0x6f: {  	[sflag:s2] =	ssyncset.done $0x0  }
0x70: {  	[sflag:s2] =	ssyncadd.s32 $0xFFFFFF80  }
0x71: {  	[hbm4b:s7+s8] =	stream.indirect.scatter [tilespmem:s12], [sflag:$0x1], $0x1, s11, s8, $0xb8;
	[tilespmem:$0x400] =	vst v63  }
0x72: {  	_ =	swait.ge [sflag:s2], $0x80  }
0x73: {  	[sflag:s2] =	ssyncset.done $0x0  }
0x74: {  	[sflag:s2] =	ssyncadd.s32 $0xFFFFFF80  }
0x75: {  	_ =	sfence.sel $0x180000  }
0x76: {  	[bflag:$0x0] =	sbarrier.arrive $0xFFFF  }
0x77: {  	p0 =	sne.s32 s0, $0x0;
	_ =	strace $0x9000004A  }
0x78: {  	s0 =	sadd.s32 @!p0 $0x100000, s1;
	[bflag:$0x2] =	sbarrier.arrive $0xFFFF  }
0x79: {  	[sflag:s0] =	ssyncadd.tile.s32 @!p0 $0x1;
	_ =	shalt  }
.Lfunc_end2:
_tile_overlayer_lowered:
.L_overlay_start_2:
0x7a: {  	(tag) =	ssettag $0x2  }
0x7b: {  	s0 =	rddreg [dreg:$0x0];
	s2 =	stileid.u32  }
0x7c: {  	s1 =	rddreg [dreg:$0x1];
	p0 =	sne.s32 s2, $0x0  }
0x7d: {  	s3 =	rddreg [dreg:$0x2];
	[bflag:$0x3] =	sbarrier.arrive $0xFFFF;
	s2 =	simm.s32 @!p0 $0x1C01  }
0x7e: {  	[timem:s3], [sflag:s2] =	dma.local @!p0 [hbm:s0], s1  }
0x7f: {  	s0 =	simm.s32 @!p0 $0x1  }
0x80: {  	_ =	swait.ge @!p0 [sflag:s0], s1  }
0x81: {  	s1 =	ssub.s32 @!p0 $0x0, s1;
	[sflag:s0] =	ssyncset.done @!p0 $0x0  }
0x82: {  	[sflag:s0] =	ssyncadd.s32 @!p0 s1  }
0x83: {  	[bflag:$0x3] =	sbarrier.arrive $0xFFFF  }
0x84: {  	_ =	shalt  }

// kernel: sparse-core-data-format-call.1.cloned.1.call-start
scs
called_computation.1_lowered:
.L_overlay_start_0:
0x0: {  	s2 =	sld [smem:$0x3FD9]  }
0x1: {  	s3 =	sld [smem:$0x3FFE];
	_ =	sdelay $0x1  }
0x2: {  	s1 =	srdreg.scid  }
0x3: {  	s0 =	sand.u32 $0x1, s1  }
0x4: {  	s18 =	sshll.u32 s0, $0xA;
	s2 =	sadd.s32 s3, s2  }
0x5: {  	s2 =	sadd.s32 s2, s18  }
0x6: {  	[smem:$0x3FC6] =	sst s2  }
0x7: {  	_ = 	snop  }
0x8: {  	s2 =	sld [smem:$0x3FD0];
	(tm) =	ssettm $0x1  }
0x9: {  	s19 =	sld [smem:$0x3FFB];
	_ =	sdelay $0x3  }
0xa: {  	_ =	strace s19  }
0xb: {  	s3 =	sld [smem:$0x3FFC];
	_ =	sdelay $0x3  }
0xc: {  	_ =	strace s3  }
0xd: {  	s3 =	sld [smem:$0x3FFD];
	_ =	sdelay $0x3  }
0xe: {  	_ =	strace s3  }
0xf: {  	_ =	strace $0x8FFFFFFF  }
0x10: {  	s20 =	sld [smem:$0x3FDB];
	_ =	sdelay $0x1  }
0x11: {  	s4 =	simm.s32 $_scs_section_size  }
0x12: {  	s5 =	simm.s32 $_size__tile_overlayer_lowered;
	s6 =	simm.s32 $_tile_overlayer_lowered  }
0x13: {  	s23 =	simm.s32 $0x1BFF;
	s22 =	sshll.u32 s6, $0x1;
	s3 =	sadd.s32 s4, s20  }
0x14: {  	s7 =	simm.s32 $0x0;
	s21 =	sshll.u32 s5, $0x1;
	s5 =	sadd.s32 s22, s3  }
0x15: {  	[timem:s7], [sflag:s23] =	dma.local [hbm:s5], s21  }
0x16: {  	_ =	swait.ge [sflag:s23], s21  }
0x17: {  	s4 =	ssub.s32 $0x0, s21;
	[sflag:s23] =	ssyncset.done $0x0  }
0x18: {  	[sflag:s23] =	ssyncadd.s32 s4;
	_ =	sdelay $0x1  }
0x19: {  	s24 =	simm.s32 $0x1B8B  }
0x1a: {  	_ =	swait.ge [sflag:s24], $0x1  }
0x1b: {  	[sflag:s24] =	ssyncset.done $0x0  }
0x1c: {  	s26 =	simm.s32 $0x1B8E;
	s25 =	sld [smem:$0x3FFE];
	[sflag:s24] =	ssyncadd.s32 $0xFFFFFFFF  }
0x1d: {  	s27 =	simm.s32 $execute0_lowered;
	[smem:$0x3FD2] =	sst s26  }
0x1e: {  	s5 =	sshll.u32 s27, $0x1;
	_ =	strace $0x80000046;
	[dreg:$0x1] =	wrdreg $0xFFFFFFFF  }
0x1f: {  	s28 =	simm.s32 $_size_execute0_lowered;
	s3 =	sadd.s32 s3, s5;
	[dreg:$0x0] =	wrdreg $0x0  }
0x20: {  	s5 =	sshll.u32 s28, $0x1;
	[dreg:$0x2] =	wrdreg s3  }
0x21: {  	[dreg:$0x3] =	wrdreg s5  }
0x22: {  	[dreg:$0x4] =	wrdreg $0xC0  }
0x23: {  	_ =	task [dreg:s7], $0x5FFFF  }
0x24: {  	[dreg:$0x1] =	wrdreg $0xFFFFFFFF  }
0x25: {  	[dreg:$0x0] =	wrdreg $0x60  }
0x26: {  	[dreg:$0x2] =	wrdreg s2  }
0x27: {  	[dreg:$0x3] =	wrdreg s25  }
0x28: {  	[dreg:$0x4] =	wrdreg $0x9  }
0x29: {  	_ =	task.clear_ibuf [dreg:s7], $0x5FFFF;
	_ =	strace $0x90000046  }
0x2a: {  	s29 =	simm.s32 $0x9;
	_ =	strace $0x80000048  }
0x2b: {  	_ =	swait.ge [sflag:s29], $0x1  }
0x2c: {  	[sflag:s29] =	ssyncadd.s32 $0xFFFFFFFF  }
0x2d: {  	_ =	strace $0x90000048  }
0x2e: {  	_ =	sfence  }
0x2f: {  	s30 =	sld [smem:$0x0];
	_ =	sdelay $0x2  }
0x30: {  	s31 =	sshll.u32 s1, $0xD;
	s1 =	sshrl.u32 s1, $0x2  }
0x31: {  	s3 =	sand.u32 $0x4000, s31;
	s1 =	sadd.s32 s1, s30  }
0x32: {  	s0 =	sor.u32 s3, s0;
	s1 =	sshll.u32 s1, $0x11  }
0x33: {  	s0 =	sor.u32 s1, s0  }
0x34: {  	s0 =	sadd.s32 $0x8F2B, s0  }
0x35: {  	[sflag:s0] =	ssyncadd.remote.s32 $0x1  }
0x36: {  	_ =	sfence.sel $0xFFFF  }
0x37: {  	[dreg:$0x0] =	wrdreg $0xFFFFFFFF;
	(pc) =	sbr.abs _section_cstart, $3  }
0x38: {  	[dreg:$0x1] =	wrdreg $0xFFFFFFFF  }
0x39: {  	_ =	task.clear_ibuf [dreg:s7], $0x2FFFF;
	_ =	strace $0x9FFFFFFF  }
0x3a: {  	(tm) =	ssettm $0x7FFFFFFF  }
0x3b: {  	_ =	shalt  }
tec
execute0_lowered:
.L_overlay_start_1:
0x0: {  	(tag) =	ssettag $0x1  }
0x1: {  	s2 =	rddreg [dreg:$0x0]  }
0x2: {  	s1 =	rddreg [dreg:$0x1]  }
0x3: {  	s0 =	rddreg [dreg:$0x2];
	_ =	strace $0x80000047;
	s4 =	srdreg.scid  }
0x4: {  	s6 =	simm.s32 $0x2;
	s11 =	simm.s32 $0x0;
	p0 =	por $0x0, $0x0  }
.Ltmp0:
0x5: {  	s7 =	simm.s32 $0x1000;
	s12 =	simm.s32 $0x0;
	(pc) =	sbr.rel .LBB1_1-.Ltmp0, $4  }
0x6: {  	s9 =	simm.s32 $0x0;
	s3 =	sadd.s32 $0xC00, s1;
	s5 =	sshll.u32 s4, $0x4  }
0x7: {  	s1 =	stileid.u32;
	s4 =	simm.s32 $0x1;
	s5 =	sand.u32 $0x10, s5  }
0x8: {  	s8 =	simm.s32 $0x0;
	[sflag:s4] =	ssyncpa.u1 $0x0;
	s5 =	sor.u32 s1, s5  }
0x9: {  	[sflag:s6] =	ssyncpa.u1 $0x0;
	s6 =	simm.s32 $0x800;
	s10 =	smov.u32 s5  }
.LBB1_7:
0xa: {  	s13 =	sadd.s32 $0x10, s9  }
0xb: {  	s11 =	sadd.s32 $0x20, s10;
	s15 =	smov.u32 s10;
	p2 =	sgt.s32 s13, $0x1F  }
0xc: {  	p1 =	slt.u32 s8, $0x2;
	s15 =	smov.u32 @p2 s11  }
0xd: {  	s8 =	sadd.s32 $0x1, s8;
	s13 =	simm.s32 @p2 $0x0;
	p2 =	sgt.s32 s15, $0x3FF  }
0xe: {  	s15 =	smov.u32 @p2 s5;
	p2 =	sne.s32 s8, $0x42  }
.Ltmp1:
0xf: {  	_ = 	snop;
	(pc) =	sbr.rel @!p2 .LBB1_8-.Ltmp1, $4  }
0x10: {  	s14 =	simm.s32 @!p1 $0x2  }
0x11: {  	s12 =	smov.u32 s10;
	_ =	swait.ge @!p1 [sflag:s14], $0x4000  }
0x12: {  	p0 =	por !p0, !p0;
	s11 =	smov.u32 s9;
	[sflag:s14] =	ssyncset.done @!p1 $0x0  }
0x13: {  	s9 =	smov.u32 s13;
	[sflag:s14] =	ssyncadd.s32 @!p1 $0xFFFFC000;
	s10 =	smov.u32 s15  }
.LBB1_1:
0x14: {  	p1 =	sgt.u32 s8, $0x3F  }
0x15: {  	s13 =	sxor.u32 @!p1 $0xFFFFFFFF, s8;
	s14 =	sshll.u32 @!p1 s10, $0xC  }
0x16: {  	s15 =	sshll.u32 @!p1 s9, $0x7;
	s13 =	sshll.u32 @!p1 s13, $0xE;
	s14 =	sadd.s32 @!p1 s2, s14  }
0x17: {  	s13 =	sand.u32 @!p1 $0x4000, s13;
	s14 =	sadd.s32 @!p1 s15, s14;
	s15 =	simm.s32 @!p1 $0x0  }
0x18: {  	[tilespmem:s13], [sflag:$0x1] =	stream.linear.gather @!p1 [hbm4b:s14+s15], $0x4000, $0x38;
	[tilespmem:$0x10000] =	vst v63  }
0x19: {  	p1 =	seq.s32 s8, $0x0  }
0x1a: {  	p2 =	seq.s32 @!p1 s8, $0x41  }
0x1b: {  	p1 =	por p1, p2  }
.Ltmp2:
0x1c: {  	_ = 	snop;
	(pc) =	sbr.rel @p1 .LBB1_7-.Ltmp2, $1  }
0x1d: {  	_ =	sdelay $0x3  }
0x1e: {  	s13 =	simm.s32 $0x1;
	_ =	swait.ge [sflag:s4], $0x4000;
	s16 =	sshll.u32 s8, $0xE  }
0x1f: {  	s13 =	simm.s32 @!p0 $0x0;
	[sflag:s4] =	ssyncset.done $0x0;
	s31 =	sand.u32 $0x4000, s16  }
0x20: {  	s16 =	simm.s32 $0x0;
	s14 =	sshll.u32 s13, $0xE;
	[sflag:s4] =	ssyncadd.s32 $0xFFFFC000  }
0x21: {  	s13 =	sor.u32 $0x8040, s14;
	s15 =	sor.u32 $0x40, s14;
	s14 =	sor.u32 $0x8000, s31  }
.LBB1_3:
0x22: {  	v0 =	vmov s15;
	_ =	sdelay $0x3  }
0x23: {  	s18 =	simm.s32 $0x0  }
0x24: {  	v6 =	vld.idx.msk [tilespmem:v0+s18+$0x30 ss:$0x1], $0xffff  }
0x25: {  	v7 =	vld.idx.msk [tilespmem:v0+s18+$0xFFFFFFC0 ss:$0x1], $0xffff  }
0x26: {  	v5 =	vld.idx.msk [tilespmem:v0+s18+$0xFFFFFFD0 ss:$0x1], $0xffff  }
0x27: {  	v4 =	vld.idx.msk [tilespmem:v0+s18+$0xFFFFFFE0 ss:$0x1], $0xffff  }
0x28: {  	v3 =	vld.idx.msk [tilespmem:v0+s18+$0xFFFFFFF0 ss:$0x1], $0xffff  }
0x29: {  	v1 =	vld.idx.msk [tilespmem:v0+s18+$0x0 ss:$0x1], $0xffff  }
0x2a: {  	v2 =	vld.idx.msk [tilespmem:v0+s18+$0x10 ss:$0x1], $0xffff;
	[tilespmem:s13+$0x30] =	vst v6  }
0x2b: {  	s17 =	simm.s32 $0x80;
	s19 =	simm.s32 $0x400;
	[tilespmem:s13+$0xFFFFFFC0] =	vst v7;
	v6 =	vld.idx.msk [tilespmem:v0+s18+$0x20 ss:$0x1], $0xffff;
	s18 =	smov.u32 s13  }
.LBB1_4:
0x2c: {  	p1 =	sne.s32 s19, $0xE00;
	v7 =	vld.idx.msk [tilespmem:v0+s17+$0x30 ss:$0x1], $0xffff;
	[tilespmem:s18+$0xFFFFFFD0] =	vst v5  }
0x2d: {  	v8 =	vld.idx.msk [tilespmem:v0+s17+$0xFFFFFFC0 ss:$0x1], $0xffff;
	[tilespmem:s18+$0xFFFFFFE0] =	vst v4  }
0x2e: {  	v5 =	vld.idx.msk [tilespmem:v0+s17+$0xFFFFFFD0 ss:$0x1], $0xffff;
	[tilespmem:s18+$0xFFFFFFF0] =	vst v3  }
.Ltmp3:
0x2f: {  	v4 =	vld.idx.msk [tilespmem:v0+s17+$0xFFFFFFE0 ss:$0x1], $0xffff;
	[tilespmem:s18+$0x0] =	vst v1;
	(pc) =	sbr.rel @p1 .LBB1_4-.Ltmp3, $4  }
0x30: {  	v3 =	vld.idx.msk [tilespmem:v0+s17+$0xFFFFFFF0 ss:$0x1], $0xffff;
	[tilespmem:s18+$0x10] =	vst v2  }
0x31: {  	v1 =	vld.idx.msk [tilespmem:v0+s17+$0x0 ss:$0x1], $0xffff;
	[tilespmem:s18+$0x20] =	vst v6;
	s18 =	sadd.s32 $0x800, s18  }
0x32: {  	v2 =	vld.idx.msk [tilespmem:v0+s17+$0x10 ss:$0x1], $0xffff;
	[tilespmem:s18+$0x30] =	vst v7  }
0x33: {  	[tilespmem:s18+$0xFFFFFFC0] =	vst v8;
	v6 =	vld.idx.msk [tilespmem:v0+s17+$0x20 ss:$0x1], $0xffff;
	s17 =	sshra.s32 s19, $0x2;
	s19 =	sadd.s32 $0x200, s19  }
0x34: {  	_ =	sdelay $0x2  }
0x35: {  	[tilespmem:s18+$0xFFFFFFD0] =	vst v5  }
0x36: {  	v56 =	vld.idx.msk [tilespmem:v0+s17+$0x30 ss:$0x1], $0xffff;
	[tilespmem:s18+$0xFFFFFFE0] =	vst v4  }
0x37: {  	v57 =	vld.idx.msk [tilespmem:v0+s17+$0xFFFFFFC0 ss:$0x1], $0xffff;
	[tilespmem:s18+$0xFFFFFFF0] =	vst v3  }
0x38: {  	v58 =	vld.idx.msk [tilespmem:v0+s17+$0xFFFFFFD0 ss:$0x1], $0xffff;
	[tilespmem:s18+$0x0] =	vst v1  }
0x39: {  	v59 =	vld.idx.msk [tilespmem:v0+s17+$0xFFFFFFE0 ss:$0x1], $0xffff;
	[tilespmem:s18+$0x10] =	vst v2  }
0x3a: {  	v60 =	vld.idx.msk [tilespmem:v0+s17+$0xFFFFFFF0 ss:$0x1], $0xffff;
	s31 =	sadd.s32 $0x800, s18;
	[tilespmem:s18+$0x20] =	vst v6  }
0x3b: {  	v61 =	vld.idx.msk [tilespmem:v0+s17+$0x0 ss:$0x1], $0xffff;
	[tilespmem:s31+$0x30] =	vst v56  }
0x3c: {  	v62 =	vld.idx.msk [tilespmem:v0+s17+$0x10 ss:$0x1], $0xffff;
	s16 =	sadd.s32 $0x1, s16;
	[tilespmem:s31+$0xFFFFFFC0] =	vst v57  }
0x3d: {  	v63 =	vld.idx.msk [tilespmem:v0+s17+$0x20 ss:$0x1], $0xffff;
	p1 =	sne.s32 s16, $0x10;
	[tilespmem:s31+$0xFFFFFFD0] =	vst v58  }
.Ltmp4:
0x3e: {  	[tilespmem:s31+$0xFFFFFFE0] =	vst v59;
	(pc) =	sbr.rel @p1 .LBB1_3-.Ltmp4, $4  }
0x3f: {  	[tilespmem:s31+$0xFFFFFFF0] =	vst v60  }
0x40: {  	[tilespmem:s31+$0x0] =	vst v61  }
0x41: {  	[tilespmem:s31+$0x10] =	vst v62  }
0x42: {  	s13 =	sadd.s32 $0x80, s13;
	s15 =	sadd.s32 $0x400, s15;
	[tilespmem:s31+$0x20] =	vst v63  }
.Ltmp5:
0x43: {  	(pc) =	sbr.rel .LBB1_7-.Ltmp5, $4  }
0x44: {  	s12 =	sshll.u32 s12, $0xC;
	s11 =	sshll.u32 s11, $0x4  }
0x45: {  	s11 =	sand.u32 $0x1F0, s11;
	s12 =	sadd.s32 s3, s12  }
0x46: {  	s11 =	sadd.s32 s11, s12  }
0x47: {  	[hbm4b:s11+s6] =	stream.strided.scatter [tilespmem:s14], [sflag:$0x2], $0x4000, s7, s6, $0x38;
	[tilespmem:$0x10000] =	vst v63  }
.LBB1_8:
0x48: {  	_ =	sfence.sel $0x180000  }
0x49: {  	s2 =	simm.s32 $0x1;
	[bflag:$0x0] =	sbarrier.arrive $0xFFFF  }
0x4a: {  	s31 =	simm.s32 $0x2;
	[sflag:s2] =	ssyncpa.u1 $0x1  }
0x4b: {  	[sflag:s31] =	ssyncpa.u1 $0x1  }
0x4c: {  	p0 =	sne.s32 s1, $0x0;
	_ =	strace $0x90000047  }
0x4d: {  	s0 =	sadd.s32 @!p0 $0x100000, s0;
	[bflag:$0x2] =	sbarrier.arrive $0xFFFF  }
0x4e: {  	[sflag:s0] =	ssyncadd.tile.s32 @!p0 $0x1;
	_ =	shalt  }
.Lfunc_end1:
_tile_overlayer_lowered:
.L_overlay_start_2:
0x4f: {  	(tag) =	ssettag $0x2  }
0x50: {  	s0 =	rddreg [dreg:$0x0];
	s2 =	stileid.u32  }
0x51: {  	s1 =	rddreg [dreg:$0x1];
	p0 =	sne.s32 s2, $0x0  }
0x52: {  	s3 =	rddreg [dreg:$0x2];
	[bflag:$0x3] =	sbarrier.arrive $0xFFFF;
	s2 =	simm.s32 @!p0 $0x1C01  }
0x53: {  	[timem:s3], [sflag:s2] =	dma.local @!p0 [hbm:s0], s1  }
0x54: {  	s0 =	simm.s32 @!p0 $0x1  }
0x55: {  	_ =	swait.ge @!p0 [sflag:s0], s1  }
0x56: {  	s1 =	ssub.s32 @!p0 $0x0, s1;
	[sflag:s0] =	ssyncset.done @!p0 $0x0  }
0x57: {  	[sflag:s0] =	ssyncadd.s32 @!p0 s1  }
0x58: {  	[bflag:$0x3] =	sbarrier.arrive $0xFFFF  }
0x59: {  	_ =	shalt  }

// kernel: sparse-core-data-format-call.cloned.1.call-start
scs
called_computation_lowered:
.L_overlay_start_0:
0x0: {  	s2 =	sld [smem:$0x3FD9]  }
0x1: {  	s3 =	sld [smem:$0x3FFE];
	_ =	sdelay $0x1  }
0x2: {  	s1 =	srdreg.scid  }
0x3: {  	s0 =	sand.u32 $0x1, s1  }
0x4: {  	s18 =	sshll.u32 s0, $0xA;
	s2 =	sadd.s32 s3, s2  }
0x5: {  	s2 =	sadd.s32 s2, s18  }
0x6: {  	[smem:$0x3FC6] =	sst s2  }
0x7: {  	_ = 	snop  }
0x8: {  	s2 =	sld [smem:$0x3FD0];
	(tm) =	ssettm $0x1  }
0x9: {  	s19 =	sld [smem:$0x3FFB];
	_ =	sdelay $0x3  }
0xa: {  	_ =	strace s19  }
0xb: {  	s3 =	sld [smem:$0x3FFC];
	_ =	sdelay $0x3  }
0xc: {  	_ =	strace s3  }
0xd: {  	s3 =	sld [smem:$0x3FFD];
	_ =	sdelay $0x3  }
0xe: {  	_ =	strace s3  }
0xf: {  	_ =	strace $0x8FFFFFFF  }
0x10: {  	s20 =	sld [smem:$0x3FDB];
	_ =	sdelay $0x1  }
0x11: {  	s4 =	simm.s32 $_scs_section_size  }
0x12: {  	s5 =	simm.s32 $_size__tile_overlayer_lowered;
	s6 =	simm.s32 $_tile_overlayer_lowered  }
0x13: {  	s23 =	simm.s32 $0x1BFF;
	s22 =	sshll.u32 s6, $0x1;
	s3 =	sadd.s32 s4, s20  }
0x14: {  	s7 =	simm.s32 $0x0;
	s21 =	sshll.u32 s5, $0x1;
	s5 =	sadd.s32 s22, s3  }
0x15: {  	[timem:s7], [sflag:s23] =	dma.local [hbm:s5], s21  }
0x16: {  	_ =	swait.ge [sflag:s23], s21  }
0x17: {  	s4 =	ssub.s32 $0x0, s21;
	[sflag:s23] =	ssyncset.done $0x0  }
0x18: {  	[sflag:s23] =	ssyncadd.s32 s4;
	_ =	sdelay $0x1  }
0x19: {  	s24 =	simm.s32 $0x1B8B  }
0x1a: {  	_ =	swait.ge [sflag:s24], $0x1  }
0x1b: {  	[sflag:s24] =	ssyncset.done $0x0  }
0x1c: {  	s26 =	simm.s32 $0x1B8E;
	s25 =	sld [smem:$0x3FFE];
	[sflag:s24] =	ssyncadd.s32 $0xFFFFFFFF  }
0x1d: {  	s27 =	simm.s32 $execute0_lowered;
	[smem:$0x3FD2] =	sst s26  }
0x1e: {  	s5 =	sshll.u32 s27, $0x1;
	_ =	strace $0x8000004C;
	[dreg:$0x1] =	wrdreg $0xFFFFFFFF  }
0x1f: {  	s28 =	simm.s32 $_size_execute0_lowered;
	s3 =	sadd.s32 s3, s5;
	[dreg:$0x0] =	wrdreg $0x0  }
0x20: {  	s5 =	sshll.u32 s28, $0x1;
	[dreg:$0x2] =	wrdreg s3  }
0x21: {  	[dreg:$0x3] =	wrdreg s5  }
0x22: {  	[dreg:$0x4] =	wrdreg $0xC0  }
0x23: {  	_ =	task [dreg:s7], $0x5FFFF  }
0x24: {  	[dreg:$0x1] =	wrdreg $0xFFFFFFFF  }
0x25: {  	[dreg:$0x0] =	wrdreg $0x60  }
0x26: {  	[dreg:$0x2] =	wrdreg s25  }
0x27: {  	[dreg:$0x3] =	wrdreg s2  }
0x28: {  	[dreg:$0x4] =	wrdreg $0x9  }
0x29: {  	_ =	task.clear_ibuf [dreg:s7], $0x5FFFF;
	_ =	strace $0x9000004C  }
0x2a: {  	s29 =	simm.s32 $0x9;
	_ =	strace $0x8000004E  }
0x2b: {  	_ =	swait.ge [sflag:s29], $0x1  }
0x2c: {  	[sflag:s29] =	ssyncadd.s32 $0xFFFFFFFF  }
0x2d: {  	_ =	strace $0x9000004E  }
0x2e: {  	_ =	sfence  }
0x2f: {  	s30 =	sld [smem:$0x0];
	_ =	sdelay $0x2  }
0x30: {  	s31 =	sshll.u32 s1, $0xD;
	s1 =	sshrl.u32 s1, $0x2  }
0x31: {  	s3 =	sand.u32 $0x4000, s31;
	s1 =	sadd.s32 s1, s30  }
0x32: {  	s0 =	sor.u32 s3, s0;
	s1 =	sshll.u32 s1, $0x11  }
0x33: {  	s0 =	sor.u32 s1, s0  }
0x34: {  	s0 =	sadd.s32 $0x8F2B, s0  }
0x35: {  	[sflag:s0] =	ssyncadd.remote.s32 $0x1  }
0x36: {  	_ =	sfence.sel $0xFFFF  }
0x37: {  	[dreg:$0x0] =	wrdreg $0xFFFFFFFF;
	(pc) =	sbr.abs _section_cstart, $3  }
0x38: {  	[dreg:$0x1] =	wrdreg $0xFFFFFFFF  }
0x39: {  	_ =	task.clear_ibuf [dreg:s7], $0x2FFFF;
	_ =	strace $0x9FFFFFFF  }
0x3a: {  	(tm) =	ssettm $0x7FFFFFFF  }
0x3b: {  	_ =	shalt  }
tec
execute0_lowered:
.L_overlay_start_1:
0x0: {  	(tag) =	ssettag $0x1  }
0x1: {  	s0 =	srdreg.scid  }
0x2: {  	s1 =	sshll.u32 s0, $0x4  }
0x3: {  	s6 =	rddreg [dreg:$0x0];
	s0 =	stileid.u32;
	s1 =	sand.u32 $0x10, s1  }
0x4: {  	s3 =	rddreg [dreg:$0x1];
	s5 =	simm.s32 $0x1;
	s1 =	sor.u32 s0, s1  }
0x5: {  	s31 =	simm.s32 $0x2;
	s12 =	simm.s32 $0x0;
	s2 =	sshll.u32 s1, $0x7  }
0x6: {  	s8 =	simm.s32 $0x10000;
	s13 =	simm.s32 $0x0;
	s4 =	ssub.s32 $0x2000, s2  }
0x7: {  	s9 =	simm.s32 $0x0;
	s11 =	simm.s32 $0x0;
	s30 =	sand.u32 $0xF80, s4  }
.Ltmp0:
0x8: {  	s6 =	sadd.s32 $0x400C00, s6;
	p0 =	sne.s32 s30, $0x0;
	(pc) =	sbr.rel .LBB1_1-.Ltmp0, $4  }
0x9: {  	s1 =	rddreg [dreg:$0x2];
	s7 =	sshrl.u32 s4, $0xC;
	s5 =	simm.s32 @!p0 $0x0  }
0xa: {  	_ =	strace $0x8000004D;
	s4 =	simm.s32 $0x1;
	s5 =	sadd.s32 s5, s7  }
0xb: {  	s10 =	smov.u32 s2;
	[sflag:s4] =	ssyncpa.u1 $0x0;
	s5 =	sshll.u32 s5, $0x6  }
0xc: {  	[sflag:s31] =	ssyncpa.u1 $0x0;
	p0 =	por $0x0, $0x0;
	s7 =	sor.u32 $0x1, s5  }
.LBB1_4:
0xd: {  	s16 =	sshll.u32 s13, $0x3;
	s17 =	sand.u32 $0x78, s13  }
0xe: {  	s30 =	sand.u32 $0xFC00, s13;
	s12 =	sshll.u32 s12, $0x10;
	s16 =	sand.u32 $0x1C00, s16  }
0xf: {  	[tilespmem:s15+$0x810 ss:$0x81] =	vst.msk $0xffff, v2;
	s31 =	sand.u32 $0x7, s13;
	s16 =	sor.u32 s17, s16;
	s17 =	sadd.s32 s3, s30  }
0x10: {  	[tilespmem:s15+$0x1020 ss:$0x81] =	vst.msk $0xffff, v0;
	s13 =	sshll.u32 s31, $0x12;
	s12 =	sadd.s32 s12, s17;
	s16 =	sshrl.u32 s16, $0x3  }
0x11: {  	[tilespmem:s15+$0x0 ss:$0x81] =	vst.msk $0xffff, v1;
	s13 =	sor.u32 $0x400, s13;
	s12 =	sadd.s32 s16, s12  }
0x12: {  	[hbm4b:s12+s13] =	stream.strided.scatter [tilespmem:s14], [sflag:$0x2], $0x2000, s8, s13, $0x20;
	[tilespmem:$0x8080] =	vst v63  }
.LBB1_5:
0x13: {  	s14 =	sadd.s32 $0x1, s9  }
0x14: {  	s12 =	sadd.s32 $0x1000, s10;
	s16 =	smov.u32 s10;
	p2 =	sgt.s32 s14, $0x3F  }
0x15: {  	s16 =	smov.u32 @p2 s12  }
0x16: {  	s14 =	simm.s32 @p2 $0x0;
	p2 =	sgt.s32 s16, $0x1FFF  }
0x17: {  	s16 =	smov.u32 @p2 s2;
	p2 =	sne.s32 s11, s7  }
.Ltmp1:
0x18: {  	p1 =	slt.u32 s11, $0x2;
	(pc) =	sbr.rel @!p2 .LBB1_6-.Ltmp1, $4  }
0x19: {  	s15 =	simm.s32 @!p1 $0x2  }
0x1a: {  	s13 =	smov.u32 s10;
	p0 =	por !p0, !p0;
	_ =	swait.ge @!p1 [sflag:s15], $0x2000  }
0x1b: {  	s12 =	smov.u32 s9;
	[sflag:s15] =	ssyncset.done @!p1 $0x0;
	s9 =	smov.u32 s14  }
0x1c: {  	s11 =	sadd.s32 $0x1, s11;
	[sflag:s15] =	ssyncadd.s32 @!p1 $0xFFFFE000;
	s10 =	smov.u32 s16  }
.LBB1_1:
0x1d: {  	p1 =	sge.u32 s11, s5  }
0x1e: {  	s31 =	sadd.s32 $0xFFFFFFFF, s11;
	s14 =	sxor.u32 @!p1 $0xFFFFFFFF, s11  }
0x1f: {  	s15 =	sshll.u32 @!p1 s10, $0xA;
	s16 =	sshll.u32 @!p1 s9, $0x4;
	s17 =	simm.s32 @!p1 $0x2000  }
0x20: {  	s14 =	sshll.u32 @!p1 s14, $0xD;
	s16 =	sand.u32 @!p1 $0x3F0, s16;
	s15 =	sadd.s32 @!p1 s6, s15  }
0x21: {  	s14 =	sand.u32 @!p1 $0x2000, s14;
	s15 =	sadd.s32 @!p1 s16, s15;
	s16 =	simm.s32 @!p1 $0x40  }
0x22: {  	[tilespmem:s14], [sflag:$0x1] =	stream.strided.gather @!p1 [hbm4b:s15+s16], $0x2000, s17, s16, $0x38;
	[tilespmem:$0x8080] =	vst v63  }
0x23: {  	p1 =	sge.u32 s31, s5  }
.Ltmp2:
0x24: {  	_ = 	snop;
	(pc) =	sbr.rel @p1 .LBB1_5-.Ltmp2, $1  }
0x25: {  	_ =	sdelay $0x3  }
0x26: {  	s14 =	simm.s32 $0x1  }
0x27: {  	_ =	swait.ge [sflag:s4], $0x2000;
	s14 =	simm.s32 @!p0 $0x0  }
0x28: {  	[sflag:s4] =	ssyncset.done $0x0;
	s15 =	sshll.u32 s14, $0xD  }
0x29: {  	[sflag:s4] =	ssyncadd.s32 $0xFFFFE000;
	s18 =	sor.u32 $0x20, s15  }
0x2a: {  	s14 =	smul.u32 $0x8100, s14;
	v3 =	vld [tilespmem:s18+$0x10]  }
0x2b: {  	s30 =	sand.u32 $0x1, s11;
	v2 =	vld [tilespmem:s18+$0xFFFFFFF0]  }
0x2c: {  	s15 =	smul.u32 $0x8100, s30;
	s14 =	sshrl.u32 s14, $0x2;
	v0 =	vld [tilespmem:s18+$0x0]  }
0x2d: {  	v1 =	vld [tilespmem:s18+$0xFFFFFFE0];
	s16 =	sor.u32 $0x4000, s14  }
0x2e: {  	s31 =	sshrl.u32 s15, $0x2;
	s15 =	sadd.s32 $0x0, s16  }
0x2f: {  	s17 =	simm.s32 $0x4;
	s18 =	sadd.s32 $0x40, s18;
	s14 =	sor.u32 $0x4000, s31;
	[tilespmem:s15+$0x1830 ss:$0x81] =	vst.msk $0xffff, v3  }
.LBB1_3:
0x30: {  	v3 =	vld [tilespmem:s18+$0x10];
	p1 =	sne.s32 s17, $0x1FC;
	[tilespmem:s15+$0x810 ss:$0x81] =	vst.msk $0xffff, v2;
	s19 =	smov.u32 s17;
	s17 =	sadd.s32 $0x4, s17  }
.Ltmp3:
0x31: {  	v2 =	vld [tilespmem:s18+$0xFFFFFFF0];
	[tilespmem:s15+$0x1020 ss:$0x81] =	vst.msk $0xffff, v0;
	(pc) =	sbr.rel @p1 .LBB1_3-.Ltmp3, $4  }
0x32: {  	v0 =	vld [tilespmem:s18+$0x0];
	[tilespmem:s15+$0x0 ss:$0x81] =	vst.msk $0xffff, v1  }
0x33: {  	s15 =	sshra.s32 s19, $0x2;
	v1 =	vld [tilespmem:s18+$0xFFFFFFE0]  }
0x34: {  	s15 =	sadd.s32 s15, s16  }
0x35: {  	s18 =	sadd.s32 $0x40, s18;
	[tilespmem:s15+$0x1830 ss:$0x81] =	vst.msk $0xffff, v3  }
.Ltmp4:
0x36: {  	_ = 	snop;
	(pc) =	sbr.rel .LBB1_4-.Ltmp4, $1  }
0x37: {  	_ =	sdelay $0x3  }
.LBB1_6:
0x38: {  	_ =	sfence.sel $0x180000  }
0x39: {  	s2 =	simm.s32 $0x1;
	[bflag:$0x0] =	sbarrier.arrive $0xFFFF  }
0x3a: {  	s31 =	simm.s32 $0x2;
	[sflag:s2] =	ssyncpa.u1 $0x1  }
0x3b: {  	[sflag:s31] =	ssyncpa.u1 $0x1  }
0x3c: {  	p0 =	sne.s32 s0, $0x0;
	_ =	strace $0x9000004D  }
0x3d: {  	s0 =	sadd.s32 @!p0 $0x100000, s1;
	[bflag:$0x2] =	sbarrier.arrive $0xFFFF  }
0x3e: {  	[sflag:s0] =	ssyncadd.tile.s32 @!p0 $0x1;
	_ =	shalt  }
.Lfunc_end1:
_tile_overlayer_lowered:
.L_overlay_start_2:
0x3f: {  	(tag) =	ssettag $0x2  }
0x40: {  	s0 =	rddreg [dreg:$0x0];
	s2 =	stileid.u32  }
0x41: {  	s1 =	rddreg [dreg:$0x1];
	p0 =	sne.s32 s2, $0x0  }
0x42: {  	s3 =	rddreg [dreg:$0x2];
	[bflag:$0x3] =	sbarrier.arrive $0xFFFF;
	s2 =	simm.s32 @!p0 $0x1C01  }
0x43: {  	[timem:s3], [sflag:s2] =	dma.local @!p0 [hbm:s0], s1  }
0x44: {  	s0 =	simm.s32 @!p0 $0x1  }
0x45: {  	_ =	swait.ge @!p0 [sflag:s0], s1  }
0x46: {  	s1 =	ssub.s32 @!p0 $0x0, s1;
	[sflag:s0] =	ssyncset.done @!p0 $0x0  }
0x47: {  	[sflag:s0] =	ssyncadd.s32 @!p0 s1  }
0x48: {  	[bflag:$0x3] =	sbarrier.arrive $0xFFFF  }
0x49: {  	_ =	shalt  }

</sc_bundles>
